<compile_context>
chip_gen: v7x
topology: tpu7x:2x2x1
jax: 0.10.2.dev20260603
libtpu: 0.0.44.dev20260713+nightly
codegen_flags: <defaults>
</compile_context>

<pallas_src>
import functools

import jax
import jax.numpy as jnp
from jax import lax
from jax.experimental import pallas as pl
from jax.experimental.pallas import tpu as pltpu
from jax.experimental.pallas import tpu_sc as plsc

_N, _P, _S = 16, 4096, 64
_PT = 32
_NC, _NS, _L = 2, 16, 16


def _sc_body(dt_hbm, sam_hbm, out_hbm, xy_v, sam_v, obuf_v, sem0, sem1):
    cid = lax.axis_index("c")
    sid = lax.axis_index("s")
    wid = sid * _NC + cid
    n = wid // 2
    st0 = (wid % 2) * 4
    sems = (sem0, sem1)

    pltpu.sync_copy(dt_hbm.at[n], xy_v)
    pltpu.sync_copy(sam_hbm, sam_v.at[pl.ds(0, _S)])

    for t in range(1):
        st = st0 + t
        buf = t % 2
        if t >= 2:
            pltpu.make_async_copy(
                obuf_v.at[buf], out_hbm.at[n, st], sems[buf]
            ).wait()

        sv = sam_v[pl.ds(st * 8, _L)]

        def ptbody(pt, carry, _sv=sv, _buf=buf):
            for j in range(8):
                x = xy_v[pt, 0, pl.ds(j * _L, _L)]
                y = xy_v[pt, 1, pl.ds(j * _L, _L)]
                m = 0.5 * (x + y)
                h = 0.5 * (y - x)
                for si in range(8):
                    o = jnp.maximum(h - jnp.abs(_sv[si] - m), 0.0)
                    obuf_v[_buf, pt, si, pl.ds(j * _L, _L)] = o
            return carry

        lax.fori_loop(0, _PT, ptbody, 0)
        pltpu.async_copy(obuf_v.at[buf], out_hbm.at[n, st], sems[buf])

    pltpu.make_async_copy(
        obuf_v.at[0], out_hbm.at[n, 0], sems[0]
    ).wait()


def kernel(diagrams, samples):
    dtile = diagrams.reshape(_N, _PT, 128, 2).transpose(0, 1, 3, 2)
    mesh = plsc.VectorSubcoreMesh(core_axis_name="c", subcore_axis_name="s")
    out5 = pl.kernel(
        _sc_body,
        mesh=mesh,
        out_type=jax.ShapeDtypeStruct((_N, 8, _PT, 8, 128), jnp.float32),
        scratch_types=[
            pltpu.VMEM((_PT, 2, 128), jnp.float32),
            pltpu.VMEM((_S + _L,), jnp.float32),
            pltpu.VMEM((2, _PT, 8, 128), jnp.float32),
            pltpu.SemaphoreType.DMA,
            pltpu.SemaphoreType.DMA,
        ],
    )(dtile, samples)
    return out5.transpose(0, 2, 4, 1, 3).reshape(_N, _P, _S)

# --- scband reference (transcript-rebuilt; emitter-appended) ---
"""Pipeline reference for scband-tent-perslay-phi-1614907703770 (READ-ONLY COPY).

The authoritative reference and input builder live on the scoring server;
editing this copy changes nothing except your own understanding.
"""

import jax, jax.numpy as jnp
import numpy as np


def setup_inputs(seed: int = 0) -> dict:
    key = jax.random.key(seed)
    k1 = jax.random.fold_in(key, 1)
    # Ragged persistence diagrams represented as dense padded tensor [n, max_pts, 2].
    # Coordinates drawn uniform in [0, 1) so tent functions overlap the samples grid.
    diagrams = jax.random.uniform(k1, (16, 4096, 2), dtype=jnp.float32)
    # Learned parameter: samples grid, per init_kwargs samples = i/64 for i in 0..63.
    samples = jnp.arange(64, dtype=jnp.float32) / 64.0
    return {"diagrams": diagrams, "samples": samples}


def reference(diagrams, samples):
    # Faithful translation of TentPerslayPhi.call:
    # samples_d = expand_dims(expand_dims(samples, 0), 0) -> [1, 1, S]
    samples_d = samples[None, None, :]
    xs = diagrams[:, :, 0:1]  # [n, P, 1]
    ys = diagrams[:, :, 1:2]  # [n, P, 1]
    # tent function: max(0.5*(y-x) - |s - 0.5*(y+x)|, 0) -> [n, P, S]
    output = jnp.maximum(0.5 * (ys - xs) - jnp.abs(samples_d - 0.5 * (ys + xs)), 0.0)
    # Original also returns output_shape = samples.shape (static metadata); the
    # tensor output is the forward result.
    return output

if __name__ == "__main__":
    import jax
    _d = setup_inputs()
    print(jax.jit(kernel)(*tuple(_d.values())))

</pallas_src>

<mosaic_0001>
#map = affine_map<(d0, d1) -> (0, 0, 0, 0)>
#map1 = affine_map<(d0, d1) -> (0)>
#map2 = affine_map<(d0, d1) -> (0, 0, 0, 0, 0)>
module attributes {stable_mosaic.version = 14 : i64} {
  func.func @_sc_body(%arg0: i32, %arg1: i32, %arg2: memref<16x32x2x128xf32, #tpu.memory_space<hbm>>, %arg3: memref<64xf32, #tpu.memory_space<hbm>>, %arg4: memref<16x8x32x8x128xf32, #tpu.memory_space<hbm>>, %arg5: memref<32x2x128xf32, #tpu.memory_space<vmem>>, %arg6: memref<80xf32, #tpu.memory_space<vmem>>, %arg7: memref<2x32x8x128xf32, #tpu.memory_space<vmem>>, %arg8: memref<!tpu.dma_semaphore, #tpu.memory_space<semaphore_mem>>, %arg9: memref<!tpu.dma_semaphore, #tpu.memory_space<semaphore_mem>>) attributes {dimension_semantics = [#tpu.dimension_semantics<core_parallel>, #tpu.dimension_semantics<subcore_parallel>], iteration_bounds = array<i64: 2, 16>, scalar_prefetch = 0 : i64, scratch_operands = 5 : i64, tpu.core_type = #tpu.core_type<sc_vector_subcore>, window_params = [{transform_indices = #map}, {transform_indices = #map1}, {transform_indices = #map2}]} {
    %mul3A = arith.constant 2 : i32
    %mul3A_0 = arith.muli %arg1, %mul3A : i32
    %add3A = arith.addi %mul3A_0, %arg0 : i32
    %jit3A = arith.constant 2 : i32
    %div3A = arith.divsi %add3A, %jit3A : i32
    %sign3A = arith.constant 0 : i32
    %sign3A_1 = arith.cmpi sgt, %add3A, %sign3A : i32
    %sign3A_2 = arith.extui %sign3A_1 : i1 to i32
    %sign3A_3 = arith.constant 0 : i32
    %sign3A_4 = arith.cmpi slt, %add3A, %sign3A_3 : i32
    %sign3A_5 = arith.extui %sign3A_4 : i1 to i32
    %sign3A_6 = arith.subi %sign3A_2, %sign3A_5 : i32
    %sign3A_7 = arith.constant 0 : i32
    %sign3A_8 = arith.cmpi sgt, %jit3A, %sign3A_7 : i32
    %sign3A_9 = arith.extui %sign3A_8 : i1 to i32
    %sign3A_10 = arith.constant 0 : i32
    %sign3A_11 = arith.cmpi slt, %jit3A, %sign3A_10 : i32
    %sign3A_12 = arith.extui %sign3A_11 : i1 to i32
    %sign3A_13 = arith.subi %sign3A_9, %sign3A_12 : i32
    %ne3A = arith.cmpi ne, %sign3A_6, %sign3A_13 : i32
    %rem3A = arith.remsi %add3A, %jit3A : i32
    %ne3A_14 = arith.constant 0 : i32
    %ne3A_15 = arith.cmpi ne, %rem3A, %ne3A_14 : i32
    %and3A = arith.andi %ne3A, %ne3A_15 : i1
    %sub3A = arith.constant 1 : i32
    %sub3A_16 = arith.subi %div3A, %sub3A : i32
    %select_n3A = arith.select %and3A, %sub3A_16, %div3A : i32
    %jit3A_17 = arith.constant 2 : i32
    %eq3A = arith.constant 0 : i32
    %eq3A_18 = arith.cmpi eq, %jit3A_17, %eq3A : i32
    %jit3A_19 = arith.constant 1 : i32
    %select_n3A_20 = arith.select %eq3A_18, %jit3A_19, %jit3A_17 : i32
    %rem3A_21 = arith.remsi %add3A, %select_n3A_20 : i32
    %ne3A_22 = arith.constant 0 : i32
    %ne3A_23 = arith.cmpi ne, %rem3A_21, %ne3A_22 : i32
    %lt3A = arith.constant 0 : i32
    %lt3A_24 = arith.cmpi slt, %rem3A_21, %lt3A : i32
    %lt3A_25 = arith.constant 0 : i32
    %lt3A_26 = arith.cmpi slt, %select_n3A_20, %lt3A_25 : i32
    %ne3A_27 = arith.xori %lt3A_24, %lt3A_26 : i1
    %and3A_28 = arith.andi %ne3A_27, %ne3A_23 : i1
    %add3A_29 = arith.addi %rem3A_21, %select_n3A_20 : i32
    %select_n3A_30 = arith.select %and3A_28, %add3A_29, %rem3A_21 : i32
    %mul3A_31 = arith.constant 4 : i32
    %mul3A_32 = arith.muli %select_n3A_30, %mul3A_31 : i32
    "tpu.region"() ({
      %run_scoped3A = tpu.sem_alloc : memref<!tpu.dma_semaphore, #tpu.memory_space<semaphore_mem>>
      %dma_start3A_85 = arith.constant 0 : i32
      %dma_start3A_86 = arith.constant 0 : i32
      %dma_start3A_87 = arith.constant 0 : i32
      %dma_start3A_88 = tpu.memref_slice %arg2[%select_n3A, %dma_start3A_85, %dma_start3A_86, %dma_start3A_87] : memref<16x32x2x128xf32, #tpu.memory_space<hbm>> -> memref<1x32x2x128xf32, #tpu.memory_space<hbm>>
      %dma_start3A_89 = tpu.memref_squeeze %dma_start3A_88 : memref<1x32x2x128xf32, #tpu.memory_space<hbm>> -> memref<32x2x128xf32, #tpu.memory_space<hbm>>
      %dma_start3A_90 = arith.constant 0 : i32
      %dma_start3A_91 = arith.constant 0 : i32
      %dma_start3A_92 = arith.constant 0 : i32
      %dma_start3A_93 = tpu.memref_slice %arg2[%select_n3A, %dma_start3A_90, %dma_start3A_91, %dma_start3A_92] : memref<16x32x2x128xf32, #tpu.memory_space<hbm>> -> memref<1x32x2x128xf32, #tpu.memory_space<hbm>>
      %dma_start3A_94 = tpu.memref_squeeze %dma_start3A_93 : memref<1x32x2x128xf32, #tpu.memory_space<hbm>> -> memref<32x2x128xf32, #tpu.memory_space<hbm>>
      tpu.enqueue_dma source(%dma_start3A_94 : memref<32x2x128xf32, #tpu.memory_space<hbm>>) target(%arg5 : memref<32x2x128xf32, #tpu.memory_space<vmem>>) target_semaphore(%run_scoped3A : memref<!tpu.dma_semaphore, #tpu.memory_space<semaphore_mem>>)
      %dma_wait3A_95 = arith.constant 0 : i32
      %dma_wait3A_96 = arith.constant 0 : i32
      %dma_wait3A_97 = arith.constant 0 : i32
      %dma_wait3A_98 = tpu.memref_slice %arg2[%select_n3A, %dma_wait3A_95, %dma_wait3A_96, %dma_wait3A_97] : memref<16x32x2x128xf32, #tpu.memory_space<hbm>> -> memref<1x32x2x128xf32, #tpu.memory_space<hbm>>
      %dma_wait3A_99 = tpu.memref_squeeze %dma_wait3A_98 : memref<1x32x2x128xf32, #tpu.memory_space<hbm>> -> memref<32x2x128xf32, #tpu.memory_space<hbm>>
      %dma_wait3A_100 = arith.constant 0 : i32
      %dma_wait3A_101 = arith.constant 0 : i32
      %dma_wait3A_102 = arith.constant 0 : i32
      %dma_wait3A_103 = tpu.memref_slice %arg2[%select_n3A, %dma_wait3A_100, %dma_wait3A_101, %dma_wait3A_102] : memref<16x32x2x128xf32, #tpu.memory_space<hbm>> -> memref<1x32x2x128xf32, #tpu.memory_space<hbm>>
      %dma_wait3A_104 = tpu.memref_squeeze %dma_wait3A_103 : memref<1x32x2x128xf32, #tpu.memory_space<hbm>> -> memref<32x2x128xf32, #tpu.memory_space<hbm>>
      tpu.wait_dma2 semaphore(%run_scoped3A : memref<!tpu.dma_semaphore, #tpu.memory_space<semaphore_mem>>) src(%dma_wait3A_104 : memref<32x2x128xf32, #tpu.memory_space<hbm>>) dst(%arg5 : memref<32x2x128xf32, #tpu.memory_space<vmem>>)
      tpu.yield
    }) : () -> ()
    "tpu.region"() ({
      %run_scoped3A = tpu.sem_alloc : memref<!tpu.dma_semaphore, #tpu.memory_space<semaphore_mem>>
      %dma_start3A_85 = arith.constant 0 : i32
      %dma_start3A_86 = tpu.memref_slice %arg6[%dma_start3A_85] : memref<80xf32, #tpu.memory_space<vmem>> -> memref<64xf32, #tpu.memory_space<vmem>>
      %dma_start3A_87 = arith.constant 0 : i32
      %dma_start3A_88 = tpu.memref_slice %arg6[%dma_start3A_87] : memref<80xf32, #tpu.memory_space<vmem>> -> memref<64xf32, #tpu.memory_space<vmem>>
      tpu.enqueue_dma source(%arg3 : memref<64xf32, #tpu.memory_space<hbm>>) target(%dma_start3A_88 : memref<64xf32, #tpu.memory_space<vmem>>) target_semaphore(%run_scoped3A : memref<!tpu.dma_semaphore, #tpu.memory_space<semaphore_mem>>)
      %dma_wait3A_89 = arith.constant 0 : i32
      %dma_wait3A_90 = tpu.memref_slice %arg6[%dma_wait3A_89] : memref<80xf32, #tpu.memory_space<vmem>> -> memref<64xf32, #tpu.memory_space<vmem>>
      %dma_wait3A_91 = arith.constant 0 : i32
      %dma_wait3A_92 = tpu.memref_slice %arg6[%dma_wait3A_91] : memref<80xf32, #tpu.memory_space<vmem>> -> memref<64xf32, #tpu.memory_space<vmem>>
      tpu.wait_dma2 semaphore(%run_scoped3A : memref<!tpu.dma_semaphore, #tpu.memory_space<semaphore_mem>>) src(%arg3 : memref<64xf32, #tpu.memory_space<hbm>>) dst(%dma_wait3A_92 : memref<64xf32, #tpu.memory_space<vmem>>)
      tpu.yield
    }) : () -> ()
    %add3A_33 = arith.constant 0 : i32
    %add3A_34 = arith.addi %mul3A_32, %add3A_33 : i32
    %mul3A_35 = arith.constant 8 : i32
    %mul3A_36 = arith.muli %add3A_34, %mul3A_35 : i32
    %get3A = arith.index_cast %mul3A_36 : i32 to index
    %get3A_37 = tpu.vector_load %arg6[%get3A] {strides = array<i32>} : memref<80xf32, #tpu.memory_space<vmem>>, vector<16xf32>,
    %get3A_38 = vector.shape_cast %get3A_37 : vector<16xf32> to vector<16xf32>
    %scan3A = arith.constant 0 : i32
    %scan3A_39 = arith.constant 0 : i32
    %scan3A_40 = arith.constant 32 : i32
    %scan3A_41 = arith.addi %scan3A_39, %scan3A_40 : i32
    %scan3A_42 = arith.constant 1 : i32
    scf.for %scan3A_85 = %scan3A_39 to %scan3A_41 step %scan3A_42  : i32 {
      %get3A_86 = arith.constant 0 : i32
      %get3A_87 = arith.index_cast %scan3A_85 : i32 to index
      %get3A_88 = arith.index_cast %get3A_86 : i32 to index
      %get3A_89 = arith.constant 0 : index
      %get3A_90 = tpu.vector_load %arg5[%get3A_87, %get3A_88, %get3A_89] {strides = array<i32>} : memref<32x2x128xf32, #tpu.memory_space<vmem>>, vector<1x1x16xf32>,
      %get3A_91 = vector.shape_cast %get3A_90 : vector<1x1x16xf32> to vector<16xf32>
      %get3A_92 = arith.constant 1 : i32
      %get3A_93 = arith.index_cast %scan3A_85 : i32 to index
      %get3A_94 = arith.index_cast %get3A_92 : i32 to index
      %get3A_95 = arith.constant 0 : index
      %get3A_96 = tpu.vector_load %arg5[%get3A_93, %get3A_94, %get3A_95] {strides = array<i32>} : memref<32x2x128xf32, #tpu.memory_space<vmem>>, vector<1x1x16xf32>,
      %get3A_97 = vector.shape_cast %get3A_96 : vector<1x1x16xf32> to vector<16xf32>
      %add3A_98 = arith.addf %get3A_91, %get3A_97 : vector<16xf32>
      %mul3A_99 = arith.constant 5.000000e-01 : f32
      %mul3A_100 = vector.broadcast %mul3A_99 : f32 to vector<16xf32>
      %mul3A_101 = arith.mulf %mul3A_100, %add3A_98 : vector<16xf32>
      %sub3A_102 = arith.subf %get3A_97, %get3A_91 : vector<16xf32>
      %mul3A_103 = arith.constant 5.000000e-01 : f32
      %mul3A_104 = vector.broadcast %mul3A_103 : f32 to vector<16xf32>
      %mul3A_105 = arith.mulf %mul3A_104, %sub3A_102 : vector<16xf32>
      %slice3A = vector.extract_strided_slice %get3A_38 {offsets = [0], sizes = [1], strides = [1]} : vector<16xf32> to vector<1xf32>
      %squeeze3A = vector.extract %slice3A[0] : f32 from vector<1xf32>
      %sub3A_106 = vector.broadcast %squeeze3A : f32 to vector<16xf32>
      %sub3A_107 = arith.subf %sub3A_106, %mul3A_101 : vector<16xf32>
      %abs3A = math.absf %sub3A_107 : vector<16xf32>
      %sub3A_108 = arith.subf %mul3A_105, %abs3A : vector<16xf32>
      %max3A = arith.constant 0.000000e+00 : f32
      %max3A_109 = vector.broadcast %max3A : f32 to vector<16xf32>
      %max3A_110 = arith.maximumf %sub3A_108, %max3A_109 : vector<16xf32>
      %swap3A = arith.constant 0 : i32
      %swap3A_111 = arith.constant 0 : i32
      %swap3A_112 = arith.index_cast %swap3A : i32 to index
      %swap3A_113 = arith.index_cast %scan3A_85 : i32 to index
      %swap3A_114 = arith.index_cast %swap3A_111 : i32 to index
      %swap3A_115 = arith.constant 0 : index
      %swap3A_116 = tpu.vector_load %arg7[%swap3A_112, %swap3A_113, %swap3A_114, %swap3A_115] {strides = array<i32>} : memref<2x32x8x128xf32, #tpu.memory_space<vmem>>, vector<1x1x1x16xf32>,
      %swap3A_117 = vector.shape_cast %swap3A_116 : vector<1x1x1x16xf32> to vector<16xf32>
      %swap3A_118 = vector.shape_cast %max3A_110 : vector<16xf32> to vector<1x1x1x16xf32>
      tpu.vector_store %arg7[%swap3A_112, %swap3A_113, %swap3A_114, %swap3A_115], %swap3A_118 {strides = array<i32>} : memref<2x32x8x128xf32, #tpu.memory_space<vmem>>, vector<1x1x1x16xf32>,
      %slice3A_119 = vector.extract_strided_slice %get3A_38 {offsets = [1], sizes = [1], strides = [1]} : vector<16xf32> to vector<1xf32>
      %squeeze3A_120 = vector.extract %slice3A_119[0] : f32 from vector<1xf32>
      %sub3A_121 = vector.broadcast %squeeze3A_120 : f32 to vector<16xf32>
      %sub3A_122 = arith.subf %sub3A_121, %mul3A_101 : vector<16xf32>
      %abs3A_123 = math.absf %sub3A_122 : vector<16xf32>
      %sub3A_124 = arith.subf %mul3A_105, %abs3A_123 : vector<16xf32>
      %max3A_125 = arith.constant 0.000000e+00 : f32
      %max3A_126 = vector.broadcast %max3A_125 : f32 to vector<16xf32>
      %max3A_127 = arith.maximumf %sub3A_124, %max3A_126 : vector<16xf32>
      %swap3A_128 = arith.constant 0 : i32
      %swap3A_129 = arith.constant 1 : i32
      %swap3A_130 = arith.index_cast %swap3A_128 : i32 to index
      %swap3A_131 = arith.index_cast %scan3A_85 : i32 to index
      %swap3A_132 = arith.index_cast %swap3A_129 : i32 to index
      %swap3A_133 = arith.constant 0 : index
      %swap3A_134 = tpu.vector_load %arg7[%swap3A_130, %swap3A_131, %swap3A_132, %swap3A_133] {strides = array<i32>} : memref<2x32x8x128xf32, #tpu.memory_space<vmem>>, vector<1x1x1x16xf32>,
      %swap3A_135 = vector.shape_cast %swap3A_134 : vector<1x1x1x16xf32> to vector<16xf32>
      %swap3A_136 = vector.shape_cast %max3A_127 : vector<16xf32> to vector<1x1x1x16xf32>
      tpu.vector_store %arg7[%swap3A_130, %swap3A_131, %swap3A_132, %swap3A_133], %swap3A_136 {strides = array<i32>} : memref<2x32x8x128xf32, #tpu.memory_space<vmem>>, vector<1x1x1x16xf32>,
      %slice3A_137 = vector.extract_strided_slice %get3A_38 {offsets = [2], sizes = [1], strides = [1]} : vector<16xf32> to vector<1xf32>
      %squeeze3A_138 = vector.extract %slice3A_137[0] : f32 from vector<1xf32>
      %sub3A_139 = vector.broadcast %squeeze3A_138 : f32 to vector<16xf32>
      %sub3A_140 = arith.subf %sub3A_139, %mul3A_101 : vector<16xf32>
      %abs3A_141 = math.absf %sub3A_140 : vector<16xf32>
      %sub3A_142 = arith.subf %mul3A_105, %abs3A_141 : vector<16xf32>
      %max3A_143 = arith.constant 0.000000e+00 : f32
      %max3A_144 = vector.broadcast %max3A_143 : f32 to vector<16xf32>
      %max3A_145 = arith.maximumf %sub3A_142, %max3A_144 : vector<16xf32>
      %swap3A_146 = arith.constant 0 : i32
      %swap3A_147 = arith.constant 2 : i32
      %swap3A_148 = arith.index_cast %swap3A_146 : i32 to index
      %swap3A_149 = arith.index_cast %scan3A_85 : i32 to index
      %swap3A_150 = arith.index_cast %swap3A_147 : i32 to index
      %swap3A_151 = arith.constant 0 : index
      %swap3A_152 = tpu.vector_load %arg7[%swap3A_148, %swap3A_149, %swap3A_150, %swap3A_151] {strides = array<i32>} : memref<2x32x8x128xf32, #tpu.memory_space<vmem>>, vector<1x1x1x16xf32>,
      %swap3A_153 = vector.shape_cast %swap3A_152 : vector<1x1x1x16xf32> to vector<16xf32>
      %swap3A_154 = vector.shape_cast %max3A_145 : vector<16xf32> to vector<1x1x1x16xf32>
      tpu.vector_store %arg7[%swap3A_148, %swap3A_149, %swap3A_150, %swap3A_151], %swap3A_154 {strides = array<i32>} : memref<2x32x8x128xf32, #tpu.memory_space<vmem>>, vector<1x1x1x16xf32>,
      %slice3A_155 = vector.extract_strided_slice %get3A_38 {offsets = [3], sizes = [1], strides = [1]} : vector<16xf32> to vector<1xf32>
      %squeeze3A_156 = vector.extract %slice3A_155[0] : f32 from vector<1xf32>
      %sub3A_157 = vector.broadcast %squeeze3A_156 : f32 to vector<16xf32>
      %sub3A_158 = arith.subf %sub3A_157, %mul3A_101 : vector<16xf32>
      %abs3A_159 = math.absf %sub3A_158 : vector<16xf32>
      %sub3A_160 = arith.subf %mul3A_105, %abs3A_159 : vector<16xf32>
      %max3A_161 = arith.constant 0.000000e+00 : f32
      %max3A_162 = vector.broadcast %max3A_161 : f32 to vector<16xf32>
      %max3A_163 = arith.maximumf %sub3A_160, %max3A_162 : vector<16xf32>
      %swap3A_164 = arith.constant 0 : i32
      %swap3A_165 = arith.constant 3 : i32
      %swap3A_166 = arith.index_cast %swap3A_164 : i32 to index
      %swap3A_167 = arith.index_cast %scan3A_85 : i32 to index
      %swap3A_168 = arith.index_cast %swap3A_165 : i32 to index
      %swap3A_169 = arith.constant 0 : index
      %swap3A_170 = tpu.vector_load %arg7[%swap3A_166, %swap3A_167, %swap3A_168, %swap3A_169] {strides = array<i32>} : memref<2x32x8x128xf32, #tpu.memory_space<vmem>>, vector<1x1x1x16xf32>,
      %swap3A_171 = vector.shape_cast %swap3A_170 : vector<1x1x1x16xf32> to vector<16xf32>
      %swap3A_172 = vector.shape_cast %max3A_163 : vector<16xf32> to vector<1x1x1x16xf32>
      tpu.vector_store %arg7[%swap3A_166, %swap3A_167, %swap3A_168, %swap3A_169], %swap3A_172 {strides = array<i32>} : memref<2x32x8x128xf32, #tpu.memory_space<vmem>>, vector<1x1x1x16xf32>,
      %slice3A_173 = vector.extract_strided_slice %get3A_38 {offsets = [4], sizes = [1], strides = [1]} : vector<16xf32> to vector<1xf32>
      %squeeze3A_174 = vector.extract %slice3A_173[0] : f32 from vector<1xf32>
      %sub3A_175 = vector.broadcast %squeeze3A_174 : f32 to vector<16xf32>
      %sub3A_176 = arith.subf %sub3A_175, %mul3A_101 : vector<16xf32>
      %abs3A_177 = math.absf %sub3A_176 : vector<16xf32>
      %sub3A_178 = arith.subf %mul3A_105, %abs3A_177 : vector<16xf32>
      %max3A_179 = arith.constant 0.000000e+00 : f32
      %max3A_180 = vector.broadcast %max3A_179 : f32 to vector<16xf32>
      %max3A_181 = arith.maximumf %sub3A_178, %max3A_180 : vector<16xf32>
      %swap3A_182 = arith.constant 0 : i32
      %swap3A_183 = arith.constant 4 : i32
      %swap3A_184 = arith.index_cast %swap3A_182 : i32 to index
      %swap3A_185 = arith.index_cast %scan3A_85 : i32 to index
      %swap3A_186 = arith.index_cast %swap3A_183 : i32 to index
      %swap3A_187 = arith.constant 0 : index
      %swap3A_188 = tpu.vector_load %arg7[%swap3A_184, %swap3A_185, %swap3A_186, %swap3A_187] {strides = array<i32>} : memref<2x32x8x128xf32, #tpu.memory_space<vmem>>, vector<1x1x1x16xf32>,
      %swap3A_189 = vector.shape_cast %swap3A_188 : vector<1x1x1x16xf32> to vector<16xf32>
      %swap3A_190 = vector.shape_cast %max3A_181 : vector<16xf32> to vector<1x1x1x16xf32>
      tpu.vector_store %arg7[%swap3A_184, %swap3A_185, %swap3A_186, %swap3A_187], %swap3A_190 {strides = array<i32>} : memref<2x32x8x128xf32, #tpu.memory_space<vmem>>, vector<1x1x1x16xf32>,
      %slice3A_191 = vector.extract_strided_slice %get3A_38 {offsets = [5], sizes = [1], strides = [1]} : vector<16xf32> to vector<1xf32>
      %squeeze3A_192 = vector.extract %slice3A_191[0] : f32 from vector<1xf32>
      %sub3A_193 = vector.broadcast %squeeze3A_192 : f32 to vector<16xf32>
      %sub3A_194 = arith.subf %sub3A_193, %mul3A_101 : vector<16xf32>
      %abs3A_195 = math.absf %sub3A_194 : vector<16xf32>
      %sub3A_196 = arith.subf %mul3A_105, %abs3A_195 : vector<16xf32>
      %max3A_197 = arith.constant 0.000000e+00 : f32
      %max3A_198 = vector.broadcast %max3A_197 : f32 to vector<16xf32>
      %max3A_199 = arith.maximumf %sub3A_196, %max3A_198 : vector<16xf32>
      %swap3A_200 = arith.constant 0 : i32
      %swap3A_201 = arith.constant 5 : i32
      %swap3A_202 = arith.index_cast %swap3A_200 : i32 to index
      %swap3A_203 = arith.index_cast %scan3A_85 : i32 to index
      %swap3A_204 = arith.index_cast %swap3A_201 : i32 to index
      %swap3A_205 = arith.constant 0 : index
      %swap3A_206 = tpu.vector_load %arg7[%swap3A_202, %swap3A_203, %swap3A_204, %swap3A_205] {strides = array<i32>} : memref<2x32x8x128xf32, #tpu.memory_space<vmem>>, vector<1x1x1x16xf32>,
      %swap3A_207 = vector.shape_cast %swap3A_206 : vector<1x1x1x16xf32> to vector<16xf32>
      %swap3A_208 = vector.shape_cast %max3A_199 : vector<16xf32> to vector<1x1x1x16xf32>
      tpu.vector_store %arg7[%swap3A_202, %swap3A_203, %swap3A_204, %swap3A_205], %swap3A_208 {strides = array<i32>} : memref<2x32x8x128xf32, #tpu.memory_space<vmem>>, vector<1x1x1x16xf32>,
      %slice3A_209 = vector.extract_strided_slice %get3A_38 {offsets = [6], sizes = [1], strides = [1]} : vector<16xf32> to vector<1xf32>
      %squeeze3A_210 = vector.extract %slice3A_209[0] : f32 from vector<1xf32>
      %sub3A_211 = vector.broadcast %squeeze3A_210 : f32 to vector<16xf32>
      %sub3A_212 = arith.subf %sub3A_211, %mul3A_101 : vector<16xf32>
      %abs3A_213 = math.absf %sub3A_212 : vector<16xf32>
      %sub3A_214 = arith.subf %mul3A_105, %abs3A_213 : vector<16xf32>
      %max3A_215 = arith.constant 0.000000e+00 : f32
      %max3A_216 = vector.broadcast %max3A_215 : f32 to vector<16xf32>
      %max3A_217 = arith.maximumf %sub3A_214, %max3A_216 : vector<16xf32>
      %swap3A_218 = arith.constant 0 : i32
      %swap3A_219 = arith.constant 6 : i32
      %swap3A_220 = arith.index_cast %swap3A_218 : i32 to index
      %swap3A_221 = arith.index_cast %scan3A_85 : i32 to index
      %swap3A_222 = arith.index_cast %swap3A_219 : i32 to index
      %swap3A_223 = arith.constant 0 : index
      %swap3A_224 = tpu.vector_load %arg7[%swap3A_220, %swap3A_221, %swap3A_222, %swap3A_223] {strides = array<i32>} : memref<2x32x8x128xf32, #tpu.memory_space<vmem>>, vector<1x1x1x16xf32>,
      %swap3A_225 = vector.shape_cast %swap3A_224 : vector<1x1x1x16xf32> to vector<16xf32>
      %swap3A_226 = vector.shape_cast %max3A_217 : vector<16xf32> to vector<1x1x1x16xf32>
      tpu.vector_store %arg7[%swap3A_220, %swap3A_221, %swap3A_222, %swap3A_223], %swap3A_226 {strides = array<i32>} : memref<2x32x8x128xf32, #tpu.memory_space<vmem>>, vector<1x1x1x16xf32>,
      %slice3A_227 = vector.extract_strided_slice %get3A_38 {offsets = [7], sizes = [1], strides = [1]} : vector<16xf32> to vector<1xf32>
      %squeeze3A_228 = vector.extract %slice3A_227[0] : f32 from vector<1xf32>
      %sub3A_229 = vector.broadcast %squeeze3A_228 : f32 to vector<16xf32>
      %sub3A_230 = arith.subf %sub3A_229, %mul3A_101 : vector<16xf32>
      %abs3A_231 = math.absf %sub3A_230 : vector<16xf32>
      %sub3A_232 = arith.subf %mul3A_105, %abs3A_231 : vector<16xf32>
      %max3A_233 = arith.constant 0.000000e+00 : f32
      %max3A_234 = vector.broadcast %max3A_233 : f32 to vector<16xf32>
      %max3A_235 = arith.maximumf %sub3A_232, %max3A_234 : vector<16xf32>
      %swap3A_236 = arith.constant 0 : i32
      %swap3A_237 = arith.constant 7 : i32
      %swap3A_238 = arith.index_cast %swap3A_236 : i32 to index
      %swap3A_239 = arith.index_cast %scan3A_85 : i32 to index
      %swap3A_240 = arith.index_cast %swap3A_237 : i32 to index
      %swap3A_241 = arith.constant 0 : index
      %swap3A_242 = tpu.vector_load %arg7[%swap3A_238, %swap3A_239, %swap3A_240, %swap3A_241] {strides = array<i32>} : memref<2x32x8x128xf32, #tpu.memory_space<vmem>>, vector<1x1x1x16xf32>,
      %swap3A_243 = vector.shape_cast %swap3A_242 : vector<1x1x1x16xf32> to vector<16xf32>
      %swap3A_244 = vector.shape_cast %max3A_235 : vector<16xf32> to vector<1x1x1x16xf32>
      tpu.vector_store %arg7[%swap3A_238, %swap3A_239, %swap3A_240, %swap3A_241], %swap3A_244 {strides = array<i32>} : memref<2x32x8x128xf32, #tpu.memory_space<vmem>>, vector<1x1x1x16xf32>,
      %get3A_245 = arith.constant 0 : i32
      %get3A_246 = arith.index_cast %scan3A_85 : i32 to index
      %get3A_247 = arith.index_cast %get3A_245 : i32 to index
      %get3A_248 = arith.constant 16 : index
      %get3A_249 = tpu.vector_load %arg5[%get3A_246, %get3A_247, %get3A_248] {strides = array<i32>} : memref<32x2x128xf32, #tpu.memory_space<vmem>>, vector<1x1x16xf32>,
      %get3A_250 = vector.shape_cast %get3A_249 : vector<1x1x16xf32> to vector<16xf32>
      %get3A_251 = arith.constant 1 : i32
      %get3A_252 = arith.index_cast %scan3A_85 : i32 to index
      %get3A_253 = arith.index_cast %get3A_251 : i32 to index
      %get3A_254 = arith.constant 16 : index
      %get3A_255 = tpu.vector_load %arg5[%get3A_252, %get3A_253, %get3A_254] {strides = array<i32>} : memref<32x2x128xf32, #tpu.memory_space<vmem>>, vector<1x1x16xf32>,
      %get3A_256 = vector.shape_cast %get3A_255 : vector<1x1x16xf32> to vector<16xf32>
      %add3A_257 = arith.addf %get3A_250, %get3A_256 : vector<16xf32>
      %mul3A_258 = arith.constant 5.000000e-01 : f32
      %mul3A_259 = vector.broadcast %mul3A_258 : f32 to vector<16xf32>
      %mul3A_260 = arith.mulf %mul3A_259, %add3A_257 : vector<16xf32>
      %sub3A_261 = arith.subf %get3A_256, %get3A_250 : vector<16xf32>
      %mul3A_262 = arith.constant 5.000000e-01 : f32
      %mul3A_263 = vector.broadcast %mul3A_262 : f32 to vector<16xf32>
      %mul3A_264 = arith.mulf %mul3A_263, %sub3A_261 : vector<16xf32>
      %slice3A_265 = vector.extract_strided_slice %get3A_38 {offsets = [0], sizes = [1], strides = [1]} : vector<16xf32> to vector<1xf32>
      %squeeze3A_266 = vector.extract %slice3A_265[0] : f32 from vector<1xf32>
      %sub3A_267 = vector.broadcast %squeeze3A_266 : f32 to vector<16xf32>
      %sub3A_268 = arith.subf %sub3A_267, %mul3A_260 : vector<16xf32>
      %abs3A_269 = math.absf %sub3A_268 : vector<16xf32>
      %sub3A_270 = arith.subf %mul3A_264, %abs3A_269 : vector<16xf32>
      %max3A_271 = arith.constant 0.000000e+00 : f32
      %max3A_272 = vector.broadcast %max3A_271 : f32 to vector<16xf32>
      %max3A_273 = arith.maximumf %sub3A_270, %max3A_272 : vector<16xf32>
      %swap3A_274 = arith.constant 0 : i32
      %swap3A_275 = arith.constant 0 : i32
      %swap3A_276 = arith.index_cast %swap3A_274 : i32 to index
      %swap3A_277 = arith.index_cast %scan3A_85 : i32 to index
      %swap3A_278 = arith.index_cast %swap3A_275 : i32 to index
      %swap3A_279 = arith.constant 16 : index
      %swap3A_280 = tpu.vector_load %arg7[%swap3A_276, %swap3A_277, %swap3A_278, %swap3A_279] {strides = array<i32>} : memref<2x32x8x128xf32, #tpu.memory_space<vmem>>, vector<1x1x1x16xf32>,
      %swap3A_281 = vector.shape_cast %swap3A_280 : vector<1x1x1x16xf32> to vector<16xf32>
      %swap3A_282 = vector.shape_cast %max3A_273 : vector<16xf32> to vector<1x1x1x16xf32>
      tpu.vector_store %arg7[%swap3A_276, %swap3A_277, %swap3A_278, %swap3A_279], %swap3A_282 {strides = array<i32>} : memref<2x32x8x128xf32, #tpu.memory_space<vmem>>, vector<1x1x1x16xf32>,
      %slice3A_283 = vector.extract_strided_slice %get3A_38 {offsets = [1], sizes = [1], strides = [1]} : vector<16xf32> to vector<1xf32>
      %squeeze3A_284 = vector.extract %slice3A_283[0] : f32 from vector<1xf32>
      %sub3A_285 = vector.broadcast %squeeze3A_284 : f32 to vector<16xf32>
      %sub3A_286 = arith.subf %sub3A_285, %mul3A_260 : vector<16xf32>
      %abs3A_287 = math.absf %sub3A_286 : vector<16xf32>
      %sub3A_288 = arith.subf %mul3A_264, %abs3A_287 : vector<16xf32>
      %max3A_289 = arith.constant 0.000000e+00 : f32
      %max3A_290 = vector.broadcast %max3A_289 : f32 to vector<16xf32>
      %max3A_291 = arith.maximumf %sub3A_288, %max3A_290 : vector<16xf32>
      %swap3A_292 = arith.constant 0 : i32
      %swap3A_293 = arith.constant 1 : i32
      %swap3A_294 = arith.index_cast %swap3A_292 : i32 to index
      %swap3A_295 = arith.index_cast %scan3A_85 : i32 to index
      %swap3A_296 = arith.index_cast %swap3A_293 : i32 to index
      %swap3A_297 = arith.constant 16 : index
      %swap3A_298 = tpu.vector_load %arg7[%swap3A_294, %swap3A_295, %swap3A_296, %swap3A_297] {strides = array<i32>} : memref<2x32x8x128xf32, #tpu.memory_space<vmem>>, vector<1x1x1x16xf32>,
      %swap3A_299 = vector.shape_cast %swap3A_298 : vector<1x1x1x16xf32> to vector<16xf32>
      %swap3A_300 = vector.shape_cast %max3A_291 : vector<16xf32> to vector<1x1x1x16xf32>
      tpu.vector_store %arg7[%swap3A_294, %swap3A_295, %swap3A_296, %swap3A_297], %swap3A_300 {strides = array<i32>} : memref<2x32x8x128xf32, #tpu.memory_space<vmem>>, vector<1x1x1x16xf32>,
      %slice3A_301 = vector.extract_strided_slice %get3A_38 {offsets = [2], sizes = [1], strides = [1]} : vector<16xf32> to vector<1xf32>
      %squeeze3A_302 = vector.extract %slice3A_301[0] : f32 from vector<1xf32>
      %sub3A_303 = vector.broadcast %squeeze3A_302 : f32 to vector<16xf32>
      %sub3A_304 = arith.subf %sub3A_303, %mul3A_260 : vector<16xf32>
      %abs3A_305 = math.absf %sub3A_304 : vector<16xf32>
      %sub3A_306 = arith.subf %mul3A_264, %abs3A_305 : vector<16xf32>
      %max3A_307 = arith.constant 0.000000e+00 : f32
      %max3A_308 = vector.broadcast %max3A_307 : f32 to vector<16xf32>
      %max3A_309 = arith.maximumf %sub3A_306, %max3A_308 : vector<16xf32>
      %swap3A_310 = arith.constant 0 : i32
      %swap3A_311 = arith.constant 2 : i32
      %swap3A_312 = arith.index_cast %swap3A_310 : i32 to index
      %swap3A_313 = arith.index_cast %scan3A_85 : i32 to index
      %swap3A_314 = arith.index_cast %swap3A_311 : i32 to index
      %swap3A_315 = arith.constant 16 : index
      %swap3A_316 = tpu.vector_load %arg7[%swap3A_312, %swap3A_313, %swap3A_314, %swap3A_315] {strides = array<i32>} : memref<2x32x8x128xf32, #tpu.memory_space<vmem>>, vector<1x1x1x16xf32>,
      %swap3A_317 = vector.shape_cast %swap3A_316 : vector<1x1x1x16xf32> to vector<16xf32>
      %swap3A_318 = vector.shape_cast %max3A_309 : vector<16xf32> to vector<1x1x1x16xf32>
      tpu.vector_store %arg7[%swap3A_312, %swap3A_313, %swap3A_314, %swap3A_315], %swap3A_318 {strides = array<i32>} : memref<2x32x8x128xf32, #tpu.memory_space<vmem>>, vector<1x1x1x16xf32>,
      %slice3A_319 = vector.extract_strided_slice %get3A_38 {offsets = [3], sizes = [1], strides = [1]} : vector<16xf32> to vector<1xf32>
      %squeeze3A_320 = vector.extract %slice3A_319[0] : f32 from vector<1xf32>
      %sub3A_321 = vector.broadcast %squeeze3A_320 : f32 to vector<16xf32>
      %sub3A_322 = arith.subf %sub3A_321, %mul3A_260 : vector<16xf32>
      %abs3A_323 = math.absf %sub3A_322 : vector<16xf32>
      %sub3A_324 = arith.subf %mul3A_264, %abs3A_323 : vector<16xf32>
      %max3A_325 = arith.constant 0.000000e+00 : f32
      %max3A_326 = vector.broadcast %max3A_325 : f32 to vector<16xf32>
      %max3A_327 = arith.maximumf %sub3A_324, %max3A_326 : vector<16xf32>
      %swap3A_328 = arith.constant 0 : i32
      %swap3A_329 = arith.constant 3 : i32
      %swap3A_330 = arith.index_cast %swap3A_328 : i32 to index
      %swap3A_331 = arith.index_cast %scan3A_85 : i32 to index
      %swap3A_332 = arith.index_cast %swap3A_329 : i32 to index
      %swap3A_333 = arith.constant 16 : index
      %swap3A_334 = tpu.vector_load %arg7[%swap3A_330, %swap3A_331, %swap3A_332, %swap3A_333] {strides = array<i32>} : memref<2x32x8x128xf32, #tpu.memory_space<vmem>>, vector<1x1x1x16xf32>,
      %swap3A_335 = vector.shape_cast %swap3A_334 : vector<1x1x1x16xf32> to vector<16xf32>
      %swap3A_336 = vector.shape_cast %max3A_327 : vector<16xf32> to vector<1x1x1x16xf32>
      tpu.vector_store %arg7[%swap3A_330, %swap3A_331, %swap3A_332, %swap3A_333], %swap3A_336 {strides = array<i32>} : memref<2x32x8x128xf32, #tpu.memory_space<vmem>>, vector<1x1x1x16xf32>,
      %slice3A_337 = vector.extract_strided_slice %get3A_38 {offsets = [4], sizes = [1], strides = [1]} : vector<16xf32> to vector<1xf32>
      %squeeze3A_338 = vector.extract %slice3A_337[0] : f32 from vector<1xf32>
      %sub3A_339 = vector.broadcast %squeeze3A_338 : f32 to vector<16xf32>
      %sub3A_340 = arith.subf %sub3A_339, %mul3A_260 : vector<16xf32>
      %abs3A_341 = math.absf %sub3A_340 : vector<16xf32>
      %sub3A_342 = arith.subf %mul3A_264, %abs3A_341 : vector<16xf32>
      %max3A_343 = arith.constant 0.000000e+00 : f32
      %max3A_344 = vector.broadcast %max3A_343 : f32 to vector<16xf32>
      %max3A_345 = arith.maximumf %sub3A_342, %max3A_344 : vector<16xf32>
      %swap3A_346 = arith.constant 0 : i32
      %swap3A_347 = arith.constant 4 : i32
      %swap3A_348 = arith.index_cast %swap3A_346 : i32 to index
      %swap3A_349 = arith.index_cast %scan3A_85 : i32 to index
      %swap3A_350 = arith.index_cast %swap3A_347 : i32 to index
      %swap3A_351 = arith.constant 16 : index
      %swap3A_352 = tpu.vector_load %arg7[%swap3A_348, %swap3A_349, %swap3A_350, %swap3A_351] {strides = array<i32>} : memref<2x32x8x128xf32, #tpu.memory_space<vmem>>, vector<1x1x1x16xf32>,
      %swap3A_353 = vector.shape_cast %swap3A_352 : vector<1x1x1x16xf32> to vector<16xf32>
      %swap3A_354 = vector.shape_cast %max3A_345 : vector<16xf32> to vector<1x1x1x16xf32>
      tpu.vector_store %arg7[%swap3A_348, %swap3A_349, %swap3A_350, %swap3A_351], %swap3A_354 {strides = array<i32>} : memref<2x32x8x128xf32, #tpu.memory_space<vmem>>, vector<1x1x1x16xf32>,
      %slice3A_355 = vector.extract_strided_slice %get3A_38 {offsets = [5], sizes = [1], strides = [1]} : vector<16xf32> to vector<1xf32>
      %squeeze3A_356 = vector.extract %slice3A_355[0] : f32 from vector<1xf32>
      %sub3A_357 = vector.broadcast %squeeze3A_356 : f32 to vector<16xf32>
      %sub3A_358 = arith.subf %sub3A_357, %mul3A_260 : vector<16xf32>
      %abs3A_359 = math.absf %sub3A_358 : vector<16xf32>
      %sub3A_360 = arith.subf %mul3A_264, %abs3A_359 : vector<16xf32>
      %max3A_361 = arith.constant 0.000000e+00 : f32
      %max3A_362 = vector.broadcast %max3A_361 : f32 to vector<16xf32>
      %max3A_363 = arith.maximumf %sub3A_360, %max3A_362 : vector<16xf32>
      %swap3A_364 = arith.constant 0 : i32
      %swap3A_365 = arith.constant 5 : i32
      %swap3A_366 = arith.index_cast %swap3A_364 : i32 to index
      %swap3A_367 = arith.index_cast %scan3A_85 : i32 to index
      %swap3A_368 = arith.index_cast %swap3A_365 : i32 to index
      %swap3A_369 = arith.constant 16 : index
      %swap3A_370 = tpu.vector_load %arg7[%swap3A_366, %swap3A_367, %swap3A_368, %swap3A_369] {strides = array<i32>} : memref<2x32x8x128xf32, #tpu.memory_space<vmem>>, vector<1x1x1x16xf32>,
      %swap3A_371 = vector.shape_cast %swap3A_370 : vector<1x1x1x16xf32> to vector<16xf32>
      %swap3A_372 = vector.shape_cast %max3A_363 : vector<16xf32> to vector<1x1x1x16xf32>
      tpu.vector_store %arg7[%swap3A_366, %swap3A_367, %swap3A_368, %swap3A_369], %swap3A_372 {strides = array<i32>} : memref<2x32x8x128xf32, #tpu.memory_space<vmem>>, vector<1x1x1x16xf32>,
      %slice3A_373 = vector.extract_strided_slice %get3A_38 {offsets = [6], sizes = [1], strides = [1]} : vector<16xf32> to vector<1xf32>
      %squeeze3A_374 = vector.extract %slice3A_373[0] : f32 from vector<1xf32>
      %sub3A_375 = vector.broadcast %squeeze3A_374 : f32 to vector<16xf32>
      %sub3A_376 = arith.subf %sub3A_375, %mul3A_260 : vector<16xf32>
      %abs3A_377 = math.absf %sub3A_376 : vector<16xf32>
      %sub3A_378 = arith.subf %mul3A_264, %abs3A_377 : vector<16xf32>
      %max3A_379 = arith.constant 0.000000e+00 : f32
      %max3A_380 = vector.broadcast %max3A_379 : f32 to vector<16xf32>
      %max3A_381 = arith.maximumf %sub3A_378, %max3A_380 : vector<16xf32>
      %swap3A_382 = arith.constant 0 : i32
      %swap3A_383 = arith.constant 6 : i32
      %swap3A_384 = arith.index_cast %swap3A_382 : i32 to index
      %swap3A_385 = arith.index_cast %scan3A_85 : i32 to index
      %swap3A_386 = arith.index_cast %swap3A_383 : i32 to index
      %swap3A_387 = arith.constant 16 : index
      %swap3A_388 = tpu.vector_load %arg7[%swap3A_384, %swap3A_385, %swap3A_386, %swap3A_387] {strides = array<i32>} : memref<2x32x8x128xf32, #tpu.memory_space<vmem>>, vector<1x1x1x16xf32>,
      %swap3A_389 = vector.shape_cast %swap3A_388 : vector<1x1x1x16xf32> to vector<16xf32>
      %swap3A_390 = vector.shape_cast %max3A_381 : vector<16xf32> to vector<1x1x1x16xf32>
      tpu.vector_store %arg7[%swap3A_384, %swap3A_385, %swap3A_386, %swap3A_387], %swap3A_390 {strides = array<i32>} : memref<2x32x8x128xf32, #tpu.memory_space<vmem>>, vector<1x1x1x16xf32>,
      %slice3A_391 = vector.extract_strided_slice %get3A_38 {offsets = [7], sizes = [1], strides = [1]} : vector<16xf32> to vector<1xf32>
      %squeeze3A_392 = vector.extract %slice3A_391[0] : f32 from vector<1xf32>
      %sub3A_393 = vector.broadcast %squeeze3A_392 : f32 to vector<16xf32>
      %sub3A_394 = arith.subf %sub3A_393, %mul3A_260 : vector<16xf32>
      %abs3A_395 = math.absf %sub3A_394 : vector<16xf32>
      %sub3A_396 = arith.subf %mul3A_264, %abs3A_395 : vector<16xf32>
      %max3A_397 = arith.constant 0.000000e+00 : f32
      %max3A_398 = vector.broadcast %max3A_397 : f32 to vector<16xf32>
      %max3A_399 = arith.maximumf %sub3A_396, %max3A_398 : vector<16xf32>
      %swap3A_400 = arith.constant 0 : i32
      %swap3A_401 = arith.constant 7 : i32
      %swap3A_402 = arith.index_cast %swap3A_400 : i32 to index
      %swap3A_403 = arith.index_cast %scan3A_85 : i32 to index
      %swap3A_404 = arith.index_cast %swap3A_401 : i32 to index
      %swap3A_405 = arith.constant 16 : index
      %swap3A_406 = tpu.vector_load %arg7[%swap3A_402, %swap3A_403, %swap3A_404, %swap3A_405] {strides = array<i32>} : memref<2x32x8x128xf32, #tpu.memory_space<vmem>>, vector<1x1x1x16xf32>,
      %swap3A_407 = vector.shape_cast %swap3A_406 : vector<1x1x1x16xf32> to vector<16xf32>
      %swap3A_408 = vector.shape_cast %max3A_399 : vector<16xf32> to vector<1x1x1x16xf32>
      tpu.vector_store %arg7[%swap3A_402, %swap3A_403, %swap3A_404, %swap3A_405], %swap3A_408 {strides = array<i32>} : memref<2x32x8x128xf32, #tpu.memory_space<vmem>>, vector<1x1x1x16xf32>,
      %get3A_409 = arith.constant 0 : i32
      %get3A_410 = arith.index_cast %scan3A_85 : i32 to index
      %get3A_411 = arith.index_cast %get3A_409 : i32 to index
      %get3A_412 = arith.constant 32 : index
      %get3A_413 = tpu.vector_load %arg5[%get3A_410, %get3A_411, %get3A_412] {strides = array<i32>} : memref<32x2x128xf32, #tpu.memory_space<vmem>>, vector<1x1x16xf32>,
      %get3A_414 = vector.shape_cast %get3A_413 : vector<1x1x16xf32> to vector<16xf32>
      %get3A_415 = arith.constant 1 : i32
      %get3A_416 = arith.index_cast %scan3A_85 : i32 to index
      %get3A_417 = arith.index_cast %get3A_415 : i32 to index
      %get3A_418 = arith.constant 32 : index
      %get3A_419 = tpu.vector_load %arg5[%get3A_416, %get3A_417, %get3A_418] {strides = array<i32>} : memref<32x2x128xf32, #tpu.memory_space<vmem>>, vector<1x1x16xf32>,
      %get3A_420 = vector.shape_cast %get3A_419 : vector<1x1x16xf32> to vector<16xf32>
      %add3A_421 = arith.addf %get3A_414, %get3A_420 : vector<16xf32>
      %mul3A_422 = arith.constant 5.000000e-01 : f32
      %mul3A_423 = vector.broadcast %mul3A_422 : f32 to vector<16xf32>
      %mul3A_424 = arith.mulf %mul3A_423, %add3A_421 : vector<16xf32>
      %sub3A_425 = arith.subf %get3A_420, %get3A_414 : vector<16xf32>
      %mul3A_426 = arith.constant 5.000000e-01 : f32
      %mul3A_427 = vector.broadcast %mul3A_426 : f32 to vector<16xf32>
      %mul3A_428 = arith.mulf %mul3A_427, %sub3A_425 : vector<16xf32>
      %slice3A_429 = vector.extract_strided_slice %get3A_38 {offsets = [0], sizes = [1], strides = [1]} : vector<16xf32> to vector<1xf32>
      %squeeze3A_430 = vector.extract %slice3A_429[0] : f32 from vector<1xf32>
      %sub3A_431 = vector.broadcast %squeeze3A_430 : f32 to vector<16xf32>
      %sub3A_432 = arith.subf %sub3A_431, %mul3A_424 : vector<16xf32>
      %abs3A_433 = math.absf %sub3A_432 : vector<16xf32>
      %sub3A_434 = arith.subf %mul3A_428, %abs3A_433 : vector<16xf32>
      %max3A_435 = arith.constant 0.000000e+00 : f32
      %max3A_436 = vector.broadcast %max3A_435 : f32 to vector<16xf32>
      %max3A_437 = arith.maximumf %sub3A_434, %max3A_436 : vector<16xf32>
      %swap3A_438 = arith.constant 0 : i32
      %swap3A_439 = arith.constant 0 : i32
      %swap3A_440 = arith.index_cast %swap3A_438 : i32 to index
      %swap3A_441 = arith.index_cast %scan3A_85 : i32 to index
      %swap3A_442 = arith.index_cast %swap3A_439 : i32 to index
      %swap3A_443 = arith.constant 32 : index
      %swap3A_444 = tpu.vector_load %arg7[%swap3A_440, %swap3A_441, %swap3A_442, %swap3A_443] {strides = array<i32>} : memref<2x32x8x128xf32, #tpu.memory_space<vmem>>, vector<1x1x1x16xf32>,
      %swap3A_445 = vector.shape_cast %swap3A_444 : vector<1x1x1x16xf32> to vector<16xf32>
      %swap3A_446 = vector.shape_cast %max3A_437 : vector<16xf32> to vector<1x1x1x16xf32>
      tpu.vector_store %arg7[%swap3A_440, %swap3A_441, %swap3A_442, %swap3A_443], %swap3A_446 {strides = array<i32>} : memref<2x32x8x128xf32, #tpu.memory_space<vmem>>, vector<1x1x1x16xf32>,
      %slice3A_447 = vector.extract_strided_slice %get3A_38 {offsets = [1], sizes = [1], strides = [1]} : vector<16xf32> to vector<1xf32>
      %squeeze3A_448 = vector.extract %slice3A_447[0] : f32 from vector<1xf32>
      %sub3A_449 = vector.broadcast %squeeze3A_448 : f32 to vector<16xf32>
      %sub3A_450 = arith.subf %sub3A_449, %mul3A_424 : vector<16xf32>
      %abs3A_451 = math.absf %sub3A_450 : vector<16xf32>
      %sub3A_452 = arith.subf %mul3A_428, %abs3A_451 : vector<16xf32>
      %max3A_453 = arith.constant 0.000000e+00 : f32
      %max3A_454 = vector.broadcast %max3A_453 : f32 to vector<16xf32>
      %max3A_455 = arith.maximumf %sub3A_452, %max3A_454 : vector<16xf32>
      %swap3A_456 = arith.constant 0 : i32
      %swap3A_457 = arith.constant 1 : i32
      %swap3A_458 = arith.index_cast %swap3A_456 : i32 to index
      %swap3A_459 = arith.index_cast %scan3A_85 : i32 to index
      %swap3A_460 = arith.index_cast %swap3A_457 : i32 to index
      %swap3A_461 = arith.constant 32 : index
      %swap3A_462 = tpu.vector_load %arg7[%swap3A_458, %swap3A_459, %swap3A_460, %swap3A_461] {strides = array<i32>} : memref<2x32x8x128xf32, #tpu.memory_space<vmem>>, vector<1x1x1x16xf32>,
      %swap3A_463 = vector.shape_cast %swap3A_462 : vector<1x1x1x16xf32> to vector<16xf32>
      %swap3A_464 = vector.shape_cast %max3A_455 : vector<16xf32> to vector<1x1x1x16xf32>
      tpu.vector_store %arg7[%swap3A_458, %swap3A_459, %swap3A_460, %swap3A_461], %swap3A_464 {strides = array<i32>} : memref<2x32x8x128xf32, #tpu.memory_space<vmem>>, vector<1x1x1x16xf32>,
      %slice3A_465 = vector.extract_strided_slice %get3A_38 {offsets = [2], sizes = [1], strides = [1]} : vector<16xf32> to vector<1xf32>
      %squeeze3A_466 = vector.extract %slice3A_465[0] : f32 from vector<1xf32>
      %sub3A_467 = vector.broadcast %squeeze3A_466 : f32 to vector<16xf32>
      %sub3A_468 = arith.subf %sub3A_467, %mul3A_424 : vector<16xf32>
      %abs3A_469 = math.absf %sub3A_468 : vector<16xf32>
      %sub3A_470 = arith.subf %mul3A_428, %abs3A_469 : vector<16xf32>
      %max3A_471 = arith.constant 0.000000e+00 : f32
      %max3A_472 = vector.broadcast %max3A_471 : f32 to vector<16xf32>
      %max3A_473 = arith.maximumf %sub3A_470, %max3A_472 : vector<16xf32>
      %swap3A_474 = arith.constant 0 : i32
      %swap3A_475 = arith.constant 2 : i32
      %swap3A_476 = arith.index_cast %swap3A_474 : i32 to index
      %swap3A_477 = arith.index_cast %scan3A_85 : i32 to index
      %swap3A_478 = arith.index_cast %swap3A_475 : i32 to index
      %swap3A_479 = arith.constant 32 : index
      %swap3A_480 = tpu.vector_load %arg7[%swap3A_476, %swap3A_477, %swap3A_478, %swap3A_479] {strides = array<i32>} : memref<2x32x8x128xf32, #tpu.memory_space<vmem>>, vector<1x1x1x16xf32>,
      %swap3A_481 = vector.shape_cast %swap3A_480 : vector<1x1x1x16xf32> to vector<16xf32>
      %swap3A_482 = vector.shape_cast %max3A_473 : vector<16xf32> to vector<1x1x1x16xf32>
      tpu.vector_store %arg7[%swap3A_476, %swap3A_477, %swap3A_478, %swap3A_479], %swap3A_482 {strides = array<i32>} : memref<2x32x8x128xf32, #tpu.memory_space<vmem>>, vector<1x1x1x16xf32>,
      %slice3A_483 = vector.extract_strided_slice %get3A_38 {offsets = [3], sizes = [1], strides = [1]} : vector<16xf32> to vector<1xf32>
      %squeeze3A_484 = vector.extract %slice3A_483[0] : f32 from vector<1xf32>
      %sub3A_485 = vector.broadcast %squeeze3A_484 : f32 to vector<16xf32>
      %sub3A_486 = arith.subf %sub3A_485, %mul3A_424 : vector<16xf32>
      %abs3A_487 = math.absf %sub3A_486 : vector<16xf32>
      %sub3A_488 = arith.subf %mul3A_428, %abs3A_487 : vector<16xf32>
      %max3A_489 = arith.constant 0.000000e+00 : f32
      %max3A_490 = vector.broadcast %max3A_489 : f32 to vector<16xf32>
      %max3A_491 = arith.maximumf %sub3A_488, %max3A_490 : vector<16xf32>
      %swap3A_492 = arith.constant 0 : i32
      %swap3A_493 = arith.constant 3 : i32
      %swap3A_494 = arith.index_cast %swap3A_492 : i32 to index
      %swap3A_495 = arith.index_cast %scan3A_85 : i32 to index
      %swap3A_496 = arith.index_cast %swap3A_493 : i32 to index
      %swap3A_497 = arith.constant 32 : index
      %swap3A_498 = tpu.vector_load %arg7[%swap3A_494, %swap3A_495, %swap3A_496, %swap3A_497] {strides = array<i32>} : memref<2x32x8x128xf32, #tpu.memory_space<vmem>>, vector<1x1x1x16xf32>,
      %swap3A_499 = vector.shape_cast %swap3A_498 : vector<1x1x1x16xf32> to vector<16xf32>
      %swap3A_500 = vector.shape_cast %max3A_491 : vector<16xf32> to vector<1x1x1x16xf32>
      tpu.vector_store %arg7[%swap3A_494, %swap3A_495, %swap3A_496, %swap3A_497], %swap3A_500 {strides = array<i32>} : memref<2x32x8x128xf32, #tpu.memory_space<vmem>>, vector<1x1x1x16xf32>,
      %slice3A_501 = vector.extract_strided_slice %get3A_38 {offsets = [4], sizes = [1], strides = [1]} : vector<16xf32> to vector<1xf32>
      %squeeze3A_502 = vector.extract %slice3A_501[0] : f32 from vector<1xf32>
      %sub3A_503 = vector.broadcast %squeeze3A_502 : f32 to vector<16xf32>
      %sub3A_504 = arith.subf %sub3A_503, %mul3A_424 : vector<16xf32>
      %abs3A_505 = math.absf %sub3A_504 : vector<16xf32>
      %sub3A_506 = arith.subf %mul3A_428, %abs3A_505 : vector<16xf32>
      %max3A_507 = arith.constant 0.000000e+00 : f32
      %max3A_508 = vector.broadcast %max3A_507 : f32 to vector<16xf32>
      %max3A_509 = arith.maximumf %sub3A_506, %max3A_508 : vector<16xf32>
      %swap3A_510 = arith.constant 0 : i32
      %swap3A_511 = arith.constant 4 : i32
      %swap3A_512 = arith.index_cast %swap3A_510 : i32 to index
      %swap3A_513 = arith.index_cast %scan3A_85 : i32 to index
      %swap3A_514 = arith.index_cast %swap3A_511 : i32 to index
      %swap3A_515 = arith.constant 32 : index
      %swap3A_516 = tpu.vector_load %arg7[%swap3A_512, %swap3A_513, %swap3A_514, %swap3A_515] {strides = array<i32>} : memref<2x32x8x128xf32, #tpu.memory_space<vmem>>, vector<1x1x1x16xf32>,
      %swap3A_517 = vector.shape_cast %swap3A_516 : vector<1x1x1x16xf32> to vector<16xf32>
      %swap3A_518 = vector.shape_cast %max3A_509 : vector<16xf32> to vector<1x1x1x16xf32>
      tpu.vector_store %arg7[%swap3A_512, %swap3A_513, %swap3A_514, %swap3A_515], %swap3A_518 {strides = array<i32>} : memref<2x32x8x128xf32, #tpu.memory_space<vmem>>, vector<1x1x1x16xf32>,
      %slice3A_519 = vector.extract_strided_slice %get3A_38 {offsets = [5], sizes = [1], strides = [1]} : vector<16xf32> to vector<1xf32>
      %squeeze3A_520 = vector.extract %slice3A_519[0] : f32 from vector<1xf32>
      %sub3A_521 = vector.broadcast %squeeze3A_520 : f32 to vector<16xf32>
      %sub3A_522 = arith.subf %sub3A_521, %mul3A_424 : vector<16xf32>
      %abs3A_523 = math.absf %sub3A_522 : vector<16xf32>
      %sub3A_524 = arith.subf %mul3A_428, %abs3A_523 : vector<16xf32>
      %max3A_525 = arith.constant 0.000000e+00 : f32
      %max3A_526 = vector.broadcast %max3A_525 : f32 to vector<16xf32>
      %max3A_527 = arith.maximumf %sub3A_524, %max3A_526 : vector<16xf32>
      %swap3A_528 = arith.constant 0 : i32
      %swap3A_529 = arith.constant 5 : i32
      %swap3A_530 = arith.index_cast %swap3A_528 : i32 to index
      %swap3A_531 = arith.index_cast %scan3A_85 : i32 to index
      %swap3A_532 = arith.index_cast %swap3A_529 : i32 to index
      %swap3A_533 = arith.constant 32 : index
      %swap3A_534 = tpu.vector_load %arg7[%swap3A_530, %swap3A_531, %swap3A_532, %swap3A_533] {strides = array<i32>} : memref<2x32x8x128xf32, #tpu.memory_space<vmem>>, vector<1x1x1x16xf32>,
      %swap3A_535 = vector.shape_cast %swap3A_534 : vector<1x1x1x16xf32> to vector<16xf32>
      %swap3A_536 = vector.shape_cast %max3A_527 : vector<16xf32> to vector<1x1x1x16xf32>
      tpu.vector_store %arg7[%swap3A_530, %swap3A_531, %swap3A_532, %swap3A_533], %swap3A_536 {strides = array<i32>} : memref<2x32x8x128xf32, #tpu.memory_space<vmem>>, vector<1x1x1x16xf32>,
      %slice3A_537 = vector.extract_strided_slice %get3A_38 {offsets = [6], sizes = [1], strides = [1]} : vector<16xf32> to vector<1xf32>
      %squeeze3A_538 = vector.extract %slice3A_537[0] : f32 from vector<1xf32>
      %sub3A_539 = vector.broadcast %squeeze3A_538 : f32 to vector<16xf32>
      %sub3A_540 = arith.subf %sub3A_539, %mul3A_424 : vector<16xf32>
      %abs3A_541 = math.absf %sub3A_540 : vector<16xf32>
      %sub3A_542 = arith.subf %mul3A_428, %abs3A_541 : vector<16xf32>
      %max3A_543 = arith.constant 0.000000e+00 : f32
      %max3A_544 = vector.broadcast %max3A_543 : f32 to vector<16xf32>
      %max3A_545 = arith.maximumf %sub3A_542, %max3A_544 : vector<16xf32>
      %swap3A_546 = arith.constant 0 : i32
      %swap3A_547 = arith.constant 6 : i32
      %swap3A_548 = arith.index_cast %swap3A_546 : i32 to index
      %swap3A_549 = arith.index_cast %scan3A_85 : i32 to index
      %swap3A_550 = arith.index_cast %swap3A_547 : i32 to index
      %swap3A_551 = arith.constant 32 : index
      %swap3A_552 = tpu.vector_load %arg7[%swap3A_548, %swap3A_549, %swap3A_550, %swap3A_551] {strides = array<i32>} : memref<2x32x8x128xf32, #tpu.memory_space<vmem>>, vector<1x1x1x16xf32>,
      %swap3A_553 = vector.shape_cast %swap3A_552 : vector<1x1x1x16xf32> to vector<16xf32>
      %swap3A_554 = vector.shape_cast %max3A_545 : vector<16xf32> to vector<1x1x1x16xf32>
      tpu.vector_store %arg7[%swap3A_548, %swap3A_549, %swap3A_550, %swap3A_551], %swap3A_554 {strides = array<i32>} : memref<2x32x8x128xf32, #tpu.memory_space<vmem>>, vector<1x1x1x16xf32>,
      %slice3A_555 = vector.extract_strided_slice %get3A_38 {offsets = [7], sizes = [1], strides = [1]} : vector<16xf32> to vector<1xf32>
      %squeeze3A_556 = vector.extract %slice3A_555[0] : f32 from vector<1xf32>
      %sub3A_557 = vector.broadcast %squeeze3A_556 : f32 to vector<16xf32>
      %sub3A_558 = arith.subf %sub3A_557, %mul3A_424 : vector<16xf32>
      %abs3A_559 = math.absf %sub3A_558 : vector<16xf32>
      %sub3A_560 = arith.subf %mul3A_428, %abs3A_559 : vector<16xf32>
      %max3A_561 = arith.constant 0.000000e+00 : f32
      %max3A_562 = vector.broadcast %max3A_561 : f32 to vector<16xf32>
      %max3A_563 = arith.maximumf %sub3A_560, %max3A_562 : vector<16xf32>
      %swap3A_564 = arith.constant 0 : i32
      %swap3A_565 = arith.constant 7 : i32
      %swap3A_566 = arith.index_cast %swap3A_564 : i32 to index
      %swap3A_567 = arith.index_cast %scan3A_85 : i32 to index
      %swap3A_568 = arith.index_cast %swap3A_565 : i32 to index
      %swap3A_569 = arith.constant 32 : index
      %swap3A_570 = tpu.vector_load %arg7[%swap3A_566, %swap3A_567, %swap3A_568, %swap3A_569] {strides = array<i32>} : memref<2x32x8x128xf32, #tpu.memory_space<vmem>>, vector<1x1x1x16xf32>,
      %swap3A_571 = vector.shape_cast %swap3A_570 : vector<1x1x1x16xf32> to vector<16xf32>
      %swap3A_572 = vector.shape_cast %max3A_563 : vector<16xf32> to vector<1x1x1x16xf32>
      tpu.vector_store %arg7[%swap3A_566, %swap3A_567, %swap3A_568, %swap3A_569], %swap3A_572 {strides = array<i32>} : memref<2x32x8x128xf32, #tpu.memory_space<vmem>>, vector<1x1x1x16xf32>,
      %get3A_573 = arith.constant 0 : i32
      %get3A_574 = arith.index_cast %scan3A_85 : i32 to index
      %get3A_575 = arith.index_cast %get3A_573 : i32 to index
      %get3A_576 = arith.constant 48 : index
      %get3A_577 = tpu.vector_load %arg5[%get3A_574, %get3A_575, %get3A_576] {strides = array<i32>} : memref<32x2x128xf32, #tpu.memory_space<vmem>>, vector<1x1x16xf32>,
      %get3A_578 = vector.shape_cast %get3A_577 : vector<1x1x16xf32> to vector<16xf32>
      %get3A_579 = arith.constant 1 : i32
      %get3A_580 = arith.index_cast %scan3A_85 : i32 to index
      %get3A_581 = arith.index_cast %get3A_579 : i32 to index
      %get3A_582 = arith.constant 48 : index
      %get3A_583 = tpu.vector_load %arg5[%get3A_580, %get3A_581, %get3A_582] {strides = array<i32>} : memref<32x2x128xf32, #tpu.memory_space<vmem>>, vector<1x1x16xf32>,
      %get3A_584 = vector.shape_cast %get3A_583 : vector<1x1x16xf32> to vector<16xf32>
      %add3A_585 = arith.addf %get3A_578, %get3A_584 : vector<16xf32>
      %mul3A_586 = arith.constant 5.000000e-01 : f32
      %mul3A_587 = vector.broadcast %mul3A_586 : f32 to vector<16xf32>
      %mul3A_588 = arith.mulf %mul3A_587, %add3A_585 : vector<16xf32>
      %sub3A_589 = arith.subf %get3A_584, %get3A_578 : vector<16xf32>
      %mul3A_590 = arith.constant 5.000000e-01 : f32
      %mul3A_591 = vector.broadcast %mul3A_590 : f32 to vector<16xf32>
      %mul3A_592 = arith.mulf %mul3A_591, %sub3A_589 : vector<16xf32>
      %slice3A_593 = vector.extract_strided_slice %get3A_38 {offsets = [0], sizes = [1], strides = [1]} : vector<16xf32> to vector<1xf32>
      %squeeze3A_594 = vector.extract %slice3A_593[0] : f32 from vector<1xf32>
      %sub3A_595 = vector.broadcast %squeeze3A_594 : f32 to vector<16xf32>
      %sub3A_596 = arith.subf %sub3A_595, %mul3A_588 : vector<16xf32>
      %abs3A_597 = math.absf %sub3A_596 : vector<16xf32>
      %sub3A_598 = arith.subf %mul3A_592, %abs3A_597 : vector<16xf32>
      %max3A_599 = arith.constant 0.000000e+00 : f32
      %max3A_600 = vector.broadcast %max3A_599 : f32 to vector<16xf32>
      %max3A_601 = arith.maximumf %sub3A_598, %max3A_600 : vector<16xf32>
      %swap3A_602 = arith.constant 0 : i32
      %swap3A_603 = arith.constant 0 : i32
      %swap3A_604 = arith.index_cast %swap3A_602 : i32 to index
      %swap3A_605 = arith.index_cast %scan3A_85 : i32 to index
      %swap3A_606 = arith.index_cast %swap3A_603 : i32 to index
      %swap3A_607 = arith.constant 48 : index
      %swap3A_608 = tpu.vector_load %arg7[%swap3A_604, %swap3A_605, %swap3A_606, %swap3A_607] {strides = array<i32>} : memref<2x32x8x128xf32, #tpu.memory_space<vmem>>, vector<1x1x1x16xf32>,
      %swap3A_609 = vector.shape_cast %swap3A_608 : vector<1x1x1x16xf32> to vector<16xf32>
      %swap3A_610 = vector.shape_cast %max3A_601 : vector<16xf32> to vector<1x1x1x16xf32>
      tpu.vector_store %arg7[%swap3A_604, %swap3A_605, %swap3A_606, %swap3A_607], %swap3A_610 {strides = array<i32>} : memref<2x32x8x128xf32, #tpu.memory_space<vmem>>, vector<1x1x1x16xf32>,
      %slice3A_611 = vector.extract_strided_slice %get3A_38 {offsets = [1], sizes = [1], strides = [1]} : vector<16xf32> to vector<1xf32>
      %squeeze3A_612 = vector.extract %slice3A_611[0] : f32 from vector<1xf32>
      %sub3A_613 = vector.broadcast %squeeze3A_612 : f32 to vector<16xf32>
      %sub3A_614 = arith.subf %sub3A_613, %mul3A_588 : vector<16xf32>
      %abs3A_615 = math.absf %sub3A_614 : vector<16xf32>
      %sub3A_616 = arith.subf %mul3A_592, %abs3A_615 : vector<16xf32>
      %max3A_617 = arith.constant 0.000000e+00 : f32
      %max3A_618 = vector.broadcast %max3A_617 : f32 to vector<16xf32>
      %max3A_619 = arith.maximumf %sub3A_616, %max3A_618 : vector<16xf32>
      %swap3A_620 = arith.constant 0 : i32
      %swap3A_621 = arith.constant 1 : i32
      %swap3A_622 = arith.index_cast %swap3A_620 : i32 to index
      %swap3A_623 = arith.index_cast %scan3A_85 : i32 to index
      %swap3A_624 = arith.index_cast %swap3A_621 : i32 to index
      %swap3A_625 = arith.constant 48 : index
      %swap3A_626 = tpu.vector_load %arg7[%swap3A_622, %swap3A_623, %swap3A_624, %swap3A_625] {strides = array<i32>} : memref<2x32x8x128xf32, #tpu.memory_space<vmem>>, vector<1x1x1x16xf32>,
      %swap3A_627 = vector.shape_cast %swap3A_626 : vector<1x1x1x16xf32> to vector<16xf32>
      %swap3A_628 = vector.shape_cast %max3A_619 : vector<16xf32> to vector<1x1x1x16xf32>
      tpu.vector_store %arg7[%swap3A_622, %swap3A_623, %swap3A_624, %swap3A_625], %swap3A_628 {strides = array<i32>} : memref<2x32x8x128xf32, #tpu.memory_space<vmem>>, vector<1x1x1x16xf32>,
      %slice3A_629 = vector.extract_strided_slice %get3A_38 {offsets = [2], sizes = [1], strides = [1]} : vector<16xf32> to vector<1xf32>
      %squeeze3A_630 = vector.extract %slice3A_629[0] : f32 from vector<1xf32>
      %sub3A_631 = vector.broadcast %squeeze3A_630 : f32 to vector<16xf32>
      %sub3A_632 = arith.subf %sub3A_631, %mul3A_588 : vector<16xf32>
      %abs3A_633 = math.absf %sub3A_632 : vector<16xf32>
      %sub3A_634 = arith.subf %mul3A_592, %abs3A_633 : vector<16xf32>
      %max3A_635 = arith.constant 0.000000e+00 : f32
      %max3A_636 = vector.broadcast %max3A_635 : f32 to vector<16xf32>
      %max3A_637 = arith.maximumf %sub3A_634, %max3A_636 : vector<16xf32>
      %swap3A_638 = arith.constant 0 : i32
      %swap3A_639 = arith.constant 2 : i32
      %swap3A_640 = arith.index_cast %swap3A_638 : i32 to index
      %swap3A_641 = arith.index_cast %scan3A_85 : i32 to index
      %swap3A_642 = arith.index_cast %swap3A_639 : i32 to index
      %swap3A_643 = arith.constant 48 : index
      %swap3A_644 = tpu.vector_load %arg7[%swap3A_640, %swap3A_641, %swap3A_642, %swap3A_643] {strides = array<i32>} : memref<2x32x8x128xf32, #tpu.memory_space<vmem>>, vector<1x1x1x16xf32>,
      %swap3A_645 = vector.shape_cast %swap3A_644 : vector<1x1x1x16xf32> to vector<16xf32>
      %swap3A_646 = vector.shape_cast %max3A_637 : vector<16xf32> to vector<1x1x1x16xf32>
      tpu.vector_store %arg7[%swap3A_640, %swap3A_641, %swap3A_642, %swap3A_643], %swap3A_646 {strides = array<i32>} : memref<2x32x8x128xf32, #tpu.memory_space<vmem>>, vector<1x1x1x16xf32>,
      %slice3A_647 = vector.extract_strided_slice %get3A_38 {offsets = [3], sizes = [1], strides = [1]} : vector<16xf32> to vector<1xf32>
      %squeeze3A_648 = vector.extract %slice3A_647[0] : f32 from vector<1xf32>
      %sub3A_649 = vector.broadcast %squeeze3A_648 : f32 to vector<16xf32>
      %sub3A_650 = arith.subf %sub3A_649, %mul3A_588 : vector<16xf32>
      %abs3A_651 = math.absf %sub3A_650 : vector<16xf32>
      %sub3A_652 = arith.subf %mul3A_592, %abs3A_651 : vector<16xf32>
      %max3A_653 = arith.constant 0.000000e+00 : f32
      %max3A_654 = vector.broadcast %max3A_653 : f32 to vector<16xf32>
      %max3A_655 = arith.maximumf %sub3A_652, %max3A_654 : vector<16xf32>
      %swap3A_656 = arith.constant 0 : i32
      %swap3A_657 = arith.constant 3 : i32
      %swap3A_658 = arith.index_cast %swap3A_656 : i32 to index
      %swap3A_659 = arith.index_cast %scan3A_85 : i32 to index
      %swap3A_660 = arith.index_cast %swap3A_657 : i32 to index
      %swap3A_661 = arith.constant 48 : index
      %swap3A_662 = tpu.vector_load %arg7[%swap3A_658, %swap3A_659, %swap3A_660, %swap3A_661] {strides = array<i32>} : memref<2x32x8x128xf32, #tpu.memory_space<vmem>>, vector<1x1x1x16xf32>,
      %swap3A_663 = vector.shape_cast %swap3A_662 : vector<1x1x1x16xf32> to vector<16xf32>
      %swap3A_664 = vector.shape_cast %max3A_655 : vector<16xf32> to vector<1x1x1x16xf32>
      tpu.vector_store %arg7[%swap3A_658, %swap3A_659, %swap3A_660, %swap3A_661], %swap3A_664 {strides = array<i32>} : memref<2x32x8x128xf32, #tpu.memory_space<vmem>>, vector<1x1x1x16xf32>,
      %slice3A_665 = vector.extract_strided_slice %get3A_38 {offsets = [4], sizes = [1], strides = [1]} : vector<16xf32> to vector<1xf32>
      %squeeze3A_666 = vector.extract %slice3A_665[0] : f32 from vector<1xf32>
      %sub3A_667 = vector.broadcast %squeeze3A_666 : f32 to vector<16xf32>
      %sub3A_668 = arith.subf %sub3A_667, %mul3A_588 : vector<16xf32>
      %abs3A_669 = math.absf %sub3A_668 : vector<16xf32>
      %sub3A_670 = arith.subf %mul3A_592, %abs3A_669 : vector<16xf32>
      %max3A_671 = arith.constant 0.000000e+00 : f32
      %max3A_672 = vector.broadcast %max3A_671 : f32 to vector<16xf32>
      %max3A_673 = arith.maximumf %sub3A_670, %max3A_672 : vector<16xf32>
      %swap3A_674 = arith.constant 0 : i32
      %swap3A_675 = arith.constant 4 : i32
      %swap3A_676 = arith.index_cast %swap3A_674 : i32 to index
      %swap3A_677 = arith.index_cast %scan3A_85 : i32 to index
      %swap3A_678 = arith.index_cast %swap3A_675 : i32 to index
      %swap3A_679 = arith.constant 48 : index
      %swap3A_680 = tpu.vector_load %arg7[%swap3A_676, %swap3A_677, %swap3A_678, %swap3A_679] {strides = array<i32>} : memref<2x32x8x128xf32, #tpu.memory_space<vmem>>, vector<1x1x1x16xf32>,
      %swap3A_681 = vector.shape_cast %swap3A_680 : vector<1x1x1x16xf32> to vector<16xf32>
      %swap3A_682 = vector.shape_cast %max3A_673 : vector<16xf32> to vector<1x1x1x16xf32>
      tpu.vector_store %arg7[%swap3A_676, %swap3A_677, %swap3A_678, %swap3A_679], %swap3A_682 {strides = array<i32>} : memref<2x32x8x128xf32, #tpu.memory_space<vmem>>, vector<1x1x1x16xf32>,
      %slice3A_683 = vector.extract_strided_slice %get3A_38 {offsets = [5], sizes = [1], strides = [1]} : vector<16xf32> to vector<1xf32>
      %squeeze3A_684 = vector.extract %slice3A_683[0] : f32 from vector<1xf32>
      %sub3A_685 = vector.broadcast %squeeze3A_684 : f32 to vector<16xf32>
      %sub3A_686 = arith.subf %sub3A_685, %mul3A_588 : vector<16xf32>
      %abs3A_687 = math.absf %sub3A_686 : vector<16xf32>
      %sub3A_688 = arith.subf %mul3A_592, %abs3A_687 : vector<16xf32>
      %max3A_689 = arith.constant 0.000000e+00 : f32
      %max3A_690 = vector.broadcast %max3A_689 : f32 to vector<16xf32>
      %max3A_691 = arith.maximumf %sub3A_688, %max3A_690 : vector<16xf32>
      %swap3A_692 = arith.constant 0 : i32
      %swap3A_693 = arith.constant 5 : i32
      %swap3A_694 = arith.index_cast %swap3A_692 : i32 to index
      %swap3A_695 = arith.index_cast %scan3A_85 : i32 to index
      %swap3A_696 = arith.index_cast %swap3A_693 : i32 to index
      %swap3A_697 = arith.constant 48 : index
      %swap3A_698 = tpu.vector_load %arg7[%swap3A_694, %swap3A_695, %swap3A_696, %swap3A_697] {strides = array<i32>} : memref<2x32x8x128xf32, #tpu.memory_space<vmem>>, vector<1x1x1x16xf32>,
      %swap3A_699 = vector.shape_cast %swap3A_698 : vector<1x1x1x16xf32> to vector<16xf32>
      %swap3A_700 = vector.shape_cast %max3A_691 : vector<16xf32> to vector<1x1x1x16xf32>
      tpu.vector_store %arg7[%swap3A_694, %swap3A_695, %swap3A_696, %swap3A_697], %swap3A_700 {strides = array<i32>} : memref<2x32x8x128xf32, #tpu.memory_space<vmem>>, vector<1x1x1x16xf32>,
      %slice3A_701 = vector.extract_strided_slice %get3A_38 {offsets = [6], sizes = [1], strides = [1]} : vector<16xf32> to vector<1xf32>
      %squeeze3A_702 = vector.extract %slice3A_701[0] : f32 from vector<1xf32>
      %sub3A_703 = vector.broadcast %squeeze3A_702 : f32 to vector<16xf32>
      %sub3A_704 = arith.subf %sub3A_703, %mul3A_588 : vector<16xf32>
      %abs3A_705 = math.absf %sub3A_704 : vector<16xf32>
      %sub3A_706 = arith.subf %mul3A_592, %abs3A_705 : vector<16xf32>
      %max3A_707 = arith.constant 0.000000e+00 : f32
      %max3A_708 = vector.broadcast %max3A_707 : f32 to vector<16xf32>
      %max3A_709 = arith.maximumf %sub3A_706, %max3A_708 : vector<16xf32>
      %swap3A_710 = arith.constant 0 : i32
      %swap3A_711 = arith.constant 6 : i32
      %swap3A_712 = arith.index_cast %swap3A_710 : i32 to index
      %swap3A_713 = arith.index_cast %scan3A_85 : i32 to index
      %swap3A_714 = arith.index_cast %swap3A_711 : i32 to index
      %swap3A_715 = arith.constant 48 : index
      %swap3A_716 = tpu.vector_load %arg7[%swap3A_712, %swap3A_713, %swap3A_714, %swap3A_715] {strides = array<i32>} : memref<2x32x8x128xf32, #tpu.memory_space<vmem>>, vector<1x1x1x16xf32>,
      %swap3A_717 = vector.shape_cast %swap3A_716 : vector<1x1x1x16xf32> to vector<16xf32>
      %swap3A_718 = vector.shape_cast %max3A_709 : vector<16xf32> to vector<1x1x1x16xf32>
      tpu.vector_store %arg7[%swap3A_712, %swap3A_713, %swap3A_714, %swap3A_715], %swap3A_718 {strides = array<i32>} : memref<2x32x8x128xf32, #tpu.memory_space<vmem>>, vector<1x1x1x16xf32>,
      %slice3A_719 = vector.extract_strided_slice %get3A_38 {offsets = [7], sizes = [1], strides = [1]} : vector<16xf32> to vector<1xf32>
      %squeeze3A_720 = vector.extract %slice3A_719[0] : f32 from vector<1xf32>
      %sub3A_721 = vector.broadcast %squeeze3A_720 : f32 to vector<16xf32>
      %sub3A_722 = arith.subf %sub3A_721, %mul3A_588 : vector<16xf32>
      %abs3A_723 = math.absf %sub3A_722 : vector<16xf32>
      %sub3A_724 = arith.subf %mul3A_592, %abs3A_723 : vector<16xf32>
      %max3A_725 = arith.constant 0.000000e+00 : f32
      %max3A_726 = vector.broadcast %max3A_725 : f32 to vector<16xf32>
      %max3A_727 = arith.maximumf %sub3A_724, %max3A_726 : vector<16xf32>
      %swap3A_728 = arith.constant 0 : i32
      %swap3A_729 = arith.constant 7 : i32
      %swap3A_730 = arith.index_cast %swap3A_728 : i32 to index
      %swap3A_731 = arith.index_cast %scan3A_85 : i32 to index
      %swap3A_732 = arith.index_cast %swap3A_729 : i32 to index
      %swap3A_733 = arith.constant 48 : index
      %swap3A_734 = tpu.vector_load %arg7[%swap3A_730, %swap3A_731, %swap3A_732, %swap3A_733] {strides = array<i32>} : memref<2x32x8x128xf32, #tpu.memory_space<vmem>>, vector<1x1x1x16xf32>,
      %swap3A_735 = vector.shape_cast %swap3A_734 : vector<1x1x1x16xf32> to vector<16xf32>
      %swap3A_736 = vector.shape_cast %max3A_727 : vector<16xf32> to vector<1x1x1x16xf32>
      tpu.vector_store %arg7[%swap3A_730, %swap3A_731, %swap3A_732, %swap3A_733], %swap3A_736 {strides = array<i32>} : memref<2x32x8x128xf32, #tpu.memory_space<vmem>>, vector<1x1x1x16xf32>,
      %get3A_737 = arith.constant 0 : i32
      %get3A_738 = arith.index_cast %scan3A_85 : i32 to index
      %get3A_739 = arith.index_cast %get3A_737 : i32 to index
      %get3A_740 = arith.constant 64 : index
      %get3A_741 = tpu.vector_load %arg5[%get3A_738, %get3A_739, %get3A_740] {strides = array<i32>} : memref<32x2x128xf32, #tpu.memory_space<vmem>>, vector<1x1x16xf32>,
      %get3A_742 = vector.shape_cast %get3A_741 : vector<1x1x16xf32> to vector<16xf32>
      %get3A_743 = arith.constant 1 : i32
      %get3A_744 = arith.index_cast %scan3A_85 : i32 to index
      %get3A_745 = arith.index_cast %get3A_743 : i32 to index
      %get3A_746 = arith.constant 64 : index
      %get3A_747 = tpu.vector_load %arg5[%get3A_744, %get3A_745, %get3A_746] {strides = array<i32>} : memref<32x2x128xf32, #tpu.memory_space<vmem>>, vector<1x1x16xf32>,
      %get3A_748 = vector.shape_cast %get3A_747 : vector<1x1x16xf32> to vector<16xf32>
      %add3A_749 = arith.addf %get3A_742, %get3A_748 : vector<16xf32>
      %mul3A_750 = arith.constant 5.000000e-01 : f32
      %mul3A_751 = vector.broadcast %mul3A_750 : f32 to vector<16xf32>
      %mul3A_752 = arith.mulf %mul3A_751, %add3A_749 : vector<16xf32>
      %sub3A_753 = arith.subf %get3A_748, %get3A_742 : vector<16xf32>
      %mul3A_754 = arith.constant 5.000000e-01 : f32
      %mul3A_755 = vector.broadcast %mul3A_754 : f32 to vector<16xf32>
      %mul3A_756 = arith.mulf %mul3A_755, %sub3A_753 : vector<16xf32>
      %slice3A_757 = vector.extract_strided_slice %get3A_38 {offsets = [0], sizes = [1], strides = [1]} : vector<16xf32> to vector<1xf32>
      %squeeze3A_758 = vector.extract %slice3A_757[0] : f32 from vector<1xf32>
      %sub3A_759 = vector.broadcast %squeeze3A_758 : f32 to vector<16xf32>
      %sub3A_760 = arith.subf %sub3A_759, %mul3A_752 : vector<16xf32>
      %abs3A_761 = math.absf %sub3A_760 : vector<16xf32>
      %sub3A_762 = arith.subf %mul3A_756, %abs3A_761 : vector<16xf32>
      %max3A_763 = arith.constant 0.000000e+00 : f32
      %max3A_764 = vector.broadcast %max3A_763 : f32 to vector<16xf32>
      %max3A_765 = arith.maximumf %sub3A_762, %max3A_764 : vector<16xf32>
      %swap3A_766 = arith.constant 0 : i32
      %swap3A_767 = arith.constant 0 : i32
      %swap3A_768 = arith.index_cast %swap3A_766 : i32 to index
      %swap3A_769 = arith.index_cast %scan3A_85 : i32 to index
      %swap3A_770 = arith.index_cast %swap3A_767 : i32 to index
      %swap3A_771 = arith.constant 64 : index
      %swap3A_772 = tpu.vector_load %arg7[%swap3A_768, %swap3A_769, %swap3A_770, %swap3A_771] {strides = array<i32>} : memref<2x32x8x128xf32, #tpu.memory_space<vmem>>, vector<1x1x1x16xf32>,
      %swap3A_773 = vector.shape_cast %swap3A_772 : vector<1x1x1x16xf32> to vector<16xf32>
      %swap3A_774 = vector.shape_cast %max3A_765 : vector<16xf32> to vector<1x1x1x16xf32>
      tpu.vector_store %arg7[%swap3A_768, %swap3A_769, %swap3A_770, %swap3A_771], %swap3A_774 {strides = array<i32>} : memref<2x32x8x128xf32, #tpu.memory_space<vmem>>, vector<1x1x1x16xf32>,
      %slice3A_775 = vector.extract_strided_slice %get3A_38 {offsets = [1], sizes = [1], strides = [1]} : vector<16xf32> to vector<1xf32>
      %squeeze3A_776 = vector.extract %slice3A_775[0] : f32 from vector<1xf32>
      %sub3A_777 = vector.broadcast %squeeze3A_776 : f32 to vector<16xf32>
      %sub3A_778 = arith.subf %sub3A_777, %mul3A_752 : vector<16xf32>
      %abs3A_779 = math.absf %sub3A_778 : vector<16xf32>
      %sub3A_780 = arith.subf %mul3A_756, %abs3A_779 : vector<16xf32>
      %max3A_781 = arith.constant 0.000000e+00 : f32
      %max3A_782 = vector.broadcast %max3A_781 : f32 to vector<16xf32>
      %max3A_783 = arith.maximumf %sub3A_780, %max3A_782 : vector<16xf32>
      %swap3A_784 = arith.constant 0 : i32
      %swap3A_785 = arith.constant 1 : i32
      %swap3A_786 = arith.index_cast %swap3A_784 : i32 to index
      %swap3A_787 = arith.index_cast %scan3A_85 : i32 to index
      %swap3A_788 = arith.index_cast %swap3A_785 : i32 to index
      %swap3A_789 = arith.constant 64 : index
      %swap3A_790 = tpu.vector_load %arg7[%swap3A_786, %swap3A_787, %swap3A_788, %swap3A_789] {strides = array<i32>} : memref<2x32x8x128xf32, #tpu.memory_space<vmem>>, vector<1x1x1x16xf32>,
      %swap3A_791 = vector.shape_cast %swap3A_790 : vector<1x1x1x16xf32> to vector<16xf32>
      %swap3A_792 = vector.shape_cast %max3A_783 : vector<16xf32> to vector<1x1x1x16xf32>
      tpu.vector_store %arg7[%swap3A_786, %swap3A_787, %swap3A_788, %swap3A_789], %swap3A_792 {strides = array<i32>} : memref<2x32x8x128xf32, #tpu.memory_space<vmem>>, vector<1x1x1x16xf32>,
      %slice3A_793 = vector.extract_strided_slice %get3A_38 {offsets = [2], sizes = [1], strides = [1]} : vector<16xf32> to vector<1xf32>
      %squeeze3A_794 = vector.extract %slice3A_793[0] : f32 from vector<1xf32>
      %sub3A_795 = vector.broadcast %squeeze3A_794 : f32 to vector<16xf32>
      %sub3A_796 = arith.subf %sub3A_795, %mul3A_752 : vector<16xf32>
      %abs3A_797 = math.absf %sub3A_796 : vector<16xf32>
      %sub3A_798 = arith.subf %mul3A_756, %abs3A_797 : vector<16xf32>
      %max3A_799 = arith.constant 0.000000e+00 : f32
      %max3A_800 = vector.broadcast %max3A_799 : f32 to vector<16xf32>
      %max3A_801 = arith.maximumf %sub3A_798, %max3A_800 : vector<16xf32>
      %swap3A_802 = arith.constant 0 : i32
      %swap3A_803 = arith.constant 2 : i32
      %swap3A_804 = arith.index_cast %swap3A_802 : i32 to index
      %swap3A_805 = arith.index_cast %scan3A_85 : i32 to index
      %swap3A_806 = arith.index_cast %swap3A_803 : i32 to index
      %swap3A_807 = arith.constant 64 : index
      %swap3A_808 = tpu.vector_load %arg7[%swap3A_804, %swap3A_805, %swap3A_806, %swap3A_807] {strides = array<i32>} : memref<2x32x8x128xf32, #tpu.memory_space<vmem>>, vector<1x1x1x16xf32>,
      %swap3A_809 = vector.shape_cast %swap3A_808 : vector<1x1x1x16xf32> to vector<16xf32>
      %swap3A_810 = vector.shape_cast %max3A_801 : vector<16xf32> to vector<1x1x1x16xf32>
      tpu.vector_store %arg7[%swap3A_804, %swap3A_805, %swap3A_806, %swap3A_807], %swap3A_810 {strides = array<i32>} : memref<2x32x8x128xf32, #tpu.memory_space<vmem>>, vector<1x1x1x16xf32>,
      %slice3A_811 = vector.extract_strided_slice %get3A_38 {offsets = [3], sizes = [1], strides = [1]} : vector<16xf32> to vector<1xf32>
      %squeeze3A_812 = vector.extract %slice3A_811[0] : f32 from vector<1xf32>
      %sub3A_813 = vector.broadcast %squeeze3A_812 : f32 to vector<16xf32>
      %sub3A_814 = arith.subf %sub3A_813, %mul3A_752 : vector<16xf32>
      %abs3A_815 = math.absf %sub3A_814 : vector<16xf32>
      %sub3A_816 = arith.subf %mul3A_756, %abs3A_815 : vector<16xf32>
      %max3A_817 = arith.constant 0.000000e+00 : f32
      %max3A_818 = vector.broadcast %max3A_817 : f32 to vector<16xf32>
      %max3A_819 = arith.maximumf %sub3A_816, %max3A_818 : vector<16xf32>
      %swap3A_820 = arith.constant 0 : i32
      %swap3A_821 = arith.constant 3 : i32
      %swap3A_822 = arith.index_cast %swap3A_820 : i32 to index
      %swap3A_823 = arith.index_cast %scan3A_85 : i32 to index
      %swap3A_824 = arith.index_cast %swap3A_821 : i32 to index
      %swap3A_825 = arith.constant 64 : index
      %swap3A_826 = tpu.vector_load %arg7[%swap3A_822, %swap3A_823, %swap3A_824, %swap3A_825] {strides = array<i32>} : memref<2x32x8x128xf32, #tpu.memory_space<vmem>>, vector<1x1x1x16xf32>,
      %swap3A_827 = vector.shape_cast %swap3A_826 : vector<1x1x1x16xf32> to vector<16xf32>
      %swap3A_828 = vector.shape_cast %max3A_819 : vector<16xf32> to vector<1x1x1x16xf32>
      tpu.vector_store %arg7[%swap3A_822, %swap3A_823, %swap3A_824, %swap3A_825], %swap3A_828 {strides = array<i32>} : memref<2x32x8x128xf32, #tpu.memory_space<vmem>>, vector<1x1x1x16xf32>,
      %slice3A_829 = vector.extract_strided_slice %get3A_38 {offsets = [4], sizes = [1], strides = [1]} : vector<16xf32> to vector<1xf32>
      %squeeze3A_830 = vector.extract %slice3A_829[0] : f32 from vector<1xf32>
      %sub3A_831 = vector.broadcast %squeeze3A_830 : f32 to vector<16xf32>
      %sub3A_832 = arith.subf %sub3A_831, %mul3A_752 : vector<16xf32>
      %abs3A_833 = math.absf %sub3A_832 : vector<16xf32>
      %sub3A_834 = arith.subf %mul3A_756, %abs3A_833 : vector<16xf32>
      %max3A_835 = arith.constant 0.000000e+00 : f32
      %max3A_836 = vector.broadcast %max3A_835 : f32 to vector<16xf32>
      %max3A_837 = arith.maximumf %sub3A_834, %max3A_836 : vector<16xf32>
      %swap3A_838 = arith.constant 0 : i32
      %swap3A_839 = arith.constant 4 : i32
      %swap3A_840 = arith.index_cast %swap3A_838 : i32 to index
      %swap3A_841 = arith.index_cast %scan3A_85 : i32 to index
      %swap3A_842 = arith.index_cast %swap3A_839 : i32 to index
      %swap3A_843 = arith.constant 64 : index
      %swap3A_844 = tpu.vector_load %arg7[%swap3A_840, %swap3A_841, %swap3A_842, %swap3A_843] {strides = array<i32>} : memref<2x32x8x128xf32, #tpu.memory_space<vmem>>, vector<1x1x1x16xf32>,
      %swap3A_845 = vector.shape_cast %swap3A_844 : vector<1x1x1x16xf32> to vector<16xf32>
      %swap3A_846 = vector.shape_cast %max3A_837 : vector<16xf32> to vector<1x1x1x16xf32>
      tpu.vector_store %arg7[%swap3A_840, %swap3A_841, %swap3A_842, %swap3A_843], %swap3A_846 {strides = array<i32>} : memref<2x32x8x128xf32, #tpu.memory_space<vmem>>, vector<1x1x1x16xf32>,
      %slice3A_847 = vector.extract_strided_slice %get3A_38 {offsets = [5], sizes = [1], strides = [1]} : vector<16xf32> to vector<1xf32>
      %squeeze3A_848 = vector.extract %slice3A_847[0] : f32 from vector<1xf32>
      %sub3A_849 = vector.broadcast %squeeze3A_848 : f32 to vector<16xf32>
      %sub3A_850 = arith.subf %sub3A_849, %mul3A_752 : vector<16xf32>
      %abs3A_851 = math.absf %sub3A_850 : vector<16xf32>
      %sub3A_852 = arith.subf %mul3A_756, %abs3A_851 : vector<16xf32>
      %max3A_853 = arith.constant 0.000000e+00 : f32
      %max3A_854 = vector.broadcast %max3A_853 : f32 to vector<16xf32>
      %max3A_855 = arith.maximumf %sub3A_852, %max3A_854 : vector<16xf32>
      %swap3A_856 = arith.constant 0 : i32
      %swap3A_857 = arith.constant 5 : i32
      %swap3A_858 = arith.index_cast %swap3A_856 : i32 to index
      %swap3A_859 = arith.index_cast %scan3A_85 : i32 to index
      %swap3A_860 = arith.index_cast %swap3A_857 : i32 to index
      %swap3A_861 = arith.constant 64 : index
      %swap3A_862 = tpu.vector_load %arg7[%swap3A_858, %swap3A_859, %swap3A_860, %swap3A_861] {strides = array<i32>} : memref<2x32x8x128xf32, #tpu.memory_space<vmem>>, vector<1x1x1x16xf32>,
      %swap3A_863 = vector.shape_cast %swap3A_862 : vector<1x1x1x16xf32> to vector<16xf32>
      %swap3A_864 = vector.shape_cast %max3A_855 : vector<16xf32> to vector<1x1x1x16xf32>
      tpu.vector_store %arg7[%swap3A_858, %swap3A_859, %swap3A_860, %swap3A_861], %swap3A_864 {strides = array<i32>} : memref<2x32x8x128xf32, #tpu.memory_space<vmem>>, vector<1x1x1x16xf32>,
      %slice3A_865 = vector.extract_strided_slice %get3A_38 {offsets = [6], sizes = [1], strides = [1]} : vector<16xf32> to vector<1xf32>
      %squeeze3A_866 = vector.extract %slice3A_865[0] : f32 from vector<1xf32>
      %sub3A_867 = vector.broadcast %squeeze3A_866 : f32 to vector<16xf32>
      %sub3A_868 = arith.subf %sub3A_867, %mul3A_752 : vector<16xf32>
      %abs3A_869 = math.absf %sub3A_868 : vector<16xf32>
      %sub3A_870 = arith.subf %mul3A_756, %abs3A_869 : vector<16xf32>
      %max3A_871 = arith.constant 0.000000e+00 : f32
      %max3A_872 = vector.broadcast %max3A_871 : f32 to vector<16xf32>
      %max3A_873 = arith.maximumf %sub3A_870, %max3A_872 : vector<16xf32>
      %swap3A_874 = arith.constant 0 : i32
      %swap3A_875 = arith.constant 6 : i32
      %swap3A_876 = arith.index_cast %swap3A_874 : i32 to index
      %swap3A_877 = arith.index_cast %scan3A_85 : i32 to index
      %swap3A_878 = arith.index_cast %swap3A_875 : i32 to index
      %swap3A_879 = arith.constant 64 : index
      %swap3A_880 = tpu.vector_load %arg7[%swap3A_876, %swap3A_877, %swap3A_878, %swap3A_879] {strides = array<i32>} : memref<2x32x8x128xf32, #tpu.memory_space<vmem>>, vector<1x1x1x16xf32>,
      %swap3A_881 = vector.shape_cast %swap3A_880 : vector<1x1x1x16xf32> to vector<16xf32>
      %swap3A_882 = vector.shape_cast %max3A_873 : vector<16xf32> to vector<1x1x1x16xf32>
      tpu.vector_store %arg7[%swap3A_876, %swap3A_877, %swap3A_878, %swap3A_879], %swap3A_882 {strides = array<i32>} : memref<2x32x8x128xf32, #tpu.memory_space<vmem>>, vector<1x1x1x16xf32>,
      %slice3A_883 = vector.extract_strided_slice %get3A_38 {offsets = [7], sizes = [1], strides = [1]} : vector<16xf32> to vector<1xf32>
      %squeeze3A_884 = vector.extract %slice3A_883[0] : f32 from vector<1xf32>
      %sub3A_885 = vector.broadcast %squeeze3A_884 : f32 to vector<16xf32>
      %sub3A_886 = arith.subf %sub3A_885, %mul3A_752 : vector<16xf32>
      %abs3A_887 = math.absf %sub3A_886 : vector<16xf32>
      %sub3A_888 = arith.subf %mul3A_756, %abs3A_887 : vector<16xf32>
      %max3A_889 = arith.constant 0.000000e+00 : f32
      %max3A_890 = vector.broadcast %max3A_889 : f32 to vector<16xf32>
      %max3A_891 = arith.maximumf %sub3A_888, %max3A_890 : vector<16xf32>
      %swap3A_892 = arith.constant 0 : i32
      %swap3A_893 = arith.constant 7 : i32
      %swap3A_894 = arith.index_cast %swap3A_892 : i32 to index
      %swap3A_895 = arith.index_cast %scan3A_85 : i32 to index
      %swap3A_896 = arith.index_cast %swap3A_893 : i32 to index
      %swap3A_897 = arith.constant 64 : index
      %swap3A_898 = tpu.vector_load %arg7[%swap3A_894, %swap3A_895, %swap3A_896, %swap3A_897] {strides = array<i32>} : memref<2x32x8x128xf32, #tpu.memory_space<vmem>>, vector<1x1x1x16xf32>,
      %swap3A_899 = vector.shape_cast %swap3A_898 : vector<1x1x1x16xf32> to vector<16xf32>
      %swap3A_900 = vector.shape_cast %max3A_891 : vector<16xf32> to vector<1x1x1x16xf32>
      tpu.vector_store %arg7[%swap3A_894, %swap3A_895, %swap3A_896, %swap3A_897], %swap3A_900 {strides = array<i32>} : memref<2x32x8x128xf32, #tpu.memory_space<vmem>>, vector<1x1x1x16xf32>,
      %get3A_901 = arith.constant 0 : i32
      %get3A_902 = arith.index_cast %scan3A_85 : i32 to index
      %get3A_903 = arith.index_cast %get3A_901 : i32 to index
      %get3A_904 = arith.constant 80 : index
      %get3A_905 = tpu.vector_load %arg5[%get3A_902, %get3A_903, %get3A_904] {strides = array<i32>} : memref<32x2x128xf32, #tpu.memory_space<vmem>>, vector<1x1x16xf32>,
      %get3A_906 = vector.shape_cast %get3A_905 : vector<1x1x16xf32> to vector<16xf32>
      %get3A_907 = arith.constant 1 : i32
      %get3A_908 = arith.index_cast %scan3A_85 : i32 to index
      %get3A_909 = arith.index_cast %get3A_907 : i32 to index
      %get3A_910 = arith.constant 80 : index
      %get3A_911 = tpu.vector_load %arg5[%get3A_908, %get3A_909, %get3A_910] {strides = array<i32>} : memref<32x2x128xf32, #tpu.memory_space<vmem>>, vector<1x1x16xf32>,
      %get3A_912 = vector.shape_cast %get3A_911 : vector<1x1x16xf32> to vector<16xf32>
      %add3A_913 = arith.addf %get3A_906, %get3A_912 : vector<16xf32>
      %mul3A_914 = arith.constant 5.000000e-01 : f32
      %mul3A_915 = vector.broadcast %mul3A_914 : f32 to vector<16xf32>
      %mul3A_916 = arith.mulf %mul3A_915, %add3A_913 : vector<16xf32>
      %sub3A_917 = arith.subf %get3A_912, %get3A_906 : vector<16xf32>
      %mul3A_918 = arith.constant 5.000000e-01 : f32
      %mul3A_919 = vector.broadcast %mul3A_918 : f32 to vector<16xf32>
      %mul3A_920 = arith.mulf %mul3A_919, %sub3A_917 : vector<16xf32>
      %slice3A_921 = vector.extract_strided_slice %get3A_38 {offsets = [0], sizes = [1], strides = [1]} : vector<16xf32> to vector<1xf32>
      %squeeze3A_922 = vector.extract %slice3A_921[0] : f32 from vector<1xf32>
      %sub3A_923 = vector.broadcast %squeeze3A_922 : f32 to vector<16xf32>
      %sub3A_924 = arith.subf %sub3A_923, %mul3A_916 : vector<16xf32>
      %abs3A_925 = math.absf %sub3A_924 : vector<16xf32>
      %sub3A_926 = arith.subf %mul3A_920, %abs3A_925 : vector<16xf32>
      %max3A_927 = arith.constant 0.000000e+00 : f32
      %max3A_928 = vector.broadcast %max3A_927 : f32 to vector<16xf32>
      %max3A_929 = arith.maximumf %sub3A_926, %max3A_928 : vector<16xf32>
      %swap3A_930 = arith.constant 0 : i32
      %swap3A_931 = arith.constant 0 : i32
      %swap3A_932 = arith.index_cast %swap3A_930 : i32 to index
      %swap3A_933 = arith.index_cast %scan3A_85 : i32 to index
      %swap3A_934 = arith.index_cast %swap3A_931 : i32 to index
      %swap3A_935 = arith.constant 80 : index
      %swap3A_936 = tpu.vector_load %arg7[%swap3A_932, %swap3A_933, %swap3A_934, %swap3A_935] {strides = array<i32>} : memref<2x32x8x128xf32, #tpu.memory_space<vmem>>, vector<1x1x1x16xf32>,
      %swap3A_937 = vector.shape_cast %swap3A_936 : vector<1x1x1x16xf32> to vector<16xf32>
      %swap3A_938 = vector.shape_cast %max3A_929 : vector<16xf32> to vector<1x1x1x16xf32>
      tpu.vector_store %arg7[%swap3A_932, %swap3A_933, %swap3A_934, %swap3A_935], %swap3A_938 {strides = array<i32>} : memref<2x32x8x128xf32, #tpu.memory_space<vmem>>, vector<1x1x1x16xf32>,
      %slice3A_939 = vector.extract_strided_slice %get3A_38 {offsets = [1], sizes = [1], strides = [1]} : vector<16xf32> to vector<1xf32>
      %squeeze3A_940 = vector.extract %slice3A_939[0] : f32 from vector<1xf32>
      %sub3A_941 = vector.broadcast %squeeze3A_940 : f32 to vector<16xf32>
      %sub3A_942 = arith.subf %sub3A_941, %mul3A_916 : vector<16xf32>
      %abs3A_943 = math.absf %sub3A_942 : vector<16xf32>
      %sub3A_944 = arith.subf %mul3A_920, %abs3A_943 : vector<16xf32>
      %max3A_945 = arith.constant 0.000000e+00 : f32
      %max3A_946 = vector.broadcast %max3A_945 : f32 to vector<16xf32>
      %max3A_947 = arith.maximumf %sub3A_944, %max3A_946 : vector<16xf32>
      %swap3A_948 = arith.constant 0 : i32
      %swap3A_949 = arith.constant 1 : i32
      %swap3A_950 = arith.index_cast %swap3A_948 : i32 to index
      %swap3A_951 = arith.index_cast %scan3A_85 : i32 to index
      %swap3A_952 = arith.index_cast %swap3A_949 : i32 to index
      %swap3A_953 = arith.constant 80 : index
      %swap3A_954 = tpu.vector_load %arg7[%swap3A_950, %swap3A_951, %swap3A_952, %swap3A_953] {strides = array<i32>} : memref<2x32x8x128xf32, #tpu.memory_space<vmem>>, vector<1x1x1x16xf32>,
      %swap3A_955 = vector.shape_cast %swap3A_954 : vector<1x1x1x16xf32> to vector<16xf32>
      %swap3A_956 = vector.shape_cast %max3A_947 : vector<16xf32> to vector<1x1x1x16xf32>
      tpu.vector_store %arg7[%swap3A_950, %swap3A_951, %swap3A_952, %swap3A_953], %swap3A_956 {strides = array<i32>} : memref<2x32x8x128xf32, #tpu.memory_space<vmem>>, vector<1x1x1x16xf32>,
      %slice3A_957 = vector.extract_strided_slice %get3A_38 {offsets = [2], sizes = [1], strides = [1]} : vector<16xf32> to vector<1xf32>
      %squeeze3A_958 = vector.extract %slice3A_957[0] : f32 from vector<1xf32>
      %sub3A_959 = vector.broadcast %squeeze3A_958 : f32 to vector<16xf32>
      %sub3A_960 = arith.subf %sub3A_959, %mul3A_916 : vector<16xf32>
      %abs3A_961 = math.absf %sub3A_960 : vector<16xf32>
      %sub3A_962 = arith.subf %mul3A_920, %abs3A_961 : vector<16xf32>
      %max3A_963 = arith.constant 0.000000e+00 : f32
      %max3A_964 = vector.broadcast %max3A_963 : f32 to vector<16xf32>
      %max3A_965 = arith.maximumf %sub3A_962, %max3A_964 : vector<16xf32>
      %swap3A_966 = arith.constant 0 : i32
      %swap3A_967 = arith.constant 2 : i32
      %swap3A_968 = arith.index_cast %swap3A_966 : i32 to index
      %swap3A_969 = arith.index_cast %scan3A_85 : i32 to index
      %swap3A_970 = arith.index_cast %swap3A_967 : i32 to index
      %swap3A_971 = arith.constant 80 : index
      %swap3A_972 = tpu.vector_load %arg7[%swap3A_968, %swap3A_969, %swap3A_970, %swap3A_971] {strides = array<i32>} : memref<2x32x8x128xf32, #tpu.memory_space<vmem>>, vector<1x1x1x16xf32>,
      %swap3A_973 = vector.shape_cast %swap3A_972 : vector<1x1x1x16xf32> to vector<16xf32>
      %swap3A_974 = vector.shape_cast %max3A_965 : vector<16xf32> to vector<1x1x1x16xf32>
      tpu.vector_store %arg7[%swap3A_968, %swap3A_969, %swap3A_970, %swap3A_971], %swap3A_974 {strides = array<i32>} : memref<2x32x8x128xf32, #tpu.memory_space<vmem>>, vector<1x1x1x16xf32>,
      %slice3A_975 = vector.extract_strided_slice %get3A_38 {offsets = [3], sizes = [1], strides = [1]} : vector<16xf32> to vector<1xf32>
      %squeeze3A_976 = vector.extract %slice3A_975[0] : f32 from vector<1xf32>
      %sub3A_977 = vector.broadcast %squeeze3A_976 : f32 to vector<16xf32>
      %sub3A_978 = arith.subf %sub3A_977, %mul3A_916 : vector<16xf32>
      %abs3A_979 = math.absf %sub3A_978 : vector<16xf32>
      %sub3A_980 = arith.subf %mul3A_920, %abs3A_979 : vector<16xf32>
      %max3A_981 = arith.constant 0.000000e+00 : f32
      %max3A_982 = vector.broadcast %max3A_981 : f32 to vector<16xf32>
      %max3A_983 = arith.maximumf %sub3A_980, %max3A_982 : vector<16xf32>
      %swap3A_984 = arith.constant 0 : i32
      %swap3A_985 = arith.constant 3 : i32
      %swap3A_986 = arith.index_cast %swap3A_984 : i32 to index
      %swap3A_987 = arith.index_cast %scan3A_85 : i32 to index
      %swap3A_988 = arith.index_cast %swap3A_985 : i32 to index
      %swap3A_989 = arith.constant 80 : index
      %swap3A_990 = tpu.vector_load %arg7[%swap3A_986, %swap3A_987, %swap3A_988, %swap3A_989] {strides = array<i32>} : memref<2x32x8x128xf32, #tpu.memory_space<vmem>>, vector<1x1x1x16xf32>,
      %swap3A_991 = vector.shape_cast %swap3A_990 : vector<1x1x1x16xf32> to vector<16xf32>
      %swap3A_992 = vector.shape_cast %max3A_983 : vector<16xf32> to vector<1x1x1x16xf32>
      tpu.vector_store %arg7[%swap3A_986, %swap3A_987, %swap3A_988, %swap3A_989], %swap3A_992 {strides = array<i32>} : memref<2x32x8x128xf32, #tpu.memory_space<vmem>>, vector<1x1x1x16xf32>,
      %slice3A_993 = vector.extract_strided_slice %get3A_38 {offsets = [4], sizes = [1], strides = [1]} : vector<16xf32> to vector<1xf32>
      %squeeze3A_994 = vector.extract %slice3A_993[0] : f32 from vector<1xf32>
      %sub3A_995 = vector.broadcast %squeeze3A_994 : f32 to vector<16xf32>
      %sub3A_996 = arith.subf %sub3A_995, %mul3A_916 : vector<16xf32>
      %abs3A_997 = math.absf %sub3A_996 : vector<16xf32>
      %sub3A_998 = arith.subf %mul3A_920, %abs3A_997 : vector<16xf32>
      %max3A_999 = arith.constant 0.000000e+00 : f32
      %max3A_1000 = vector.broadcast %max3A_999 : f32 to vector<16xf32>
      %max3A_1001 = arith.maximumf %sub3A_998, %max3A_1000 : vector<16xf32>
      %swap3A_1002 = arith.constant 0 : i32
      %swap3A_1003 = arith.constant 4 : i32
      %swap3A_1004 = arith.index_cast %swap3A_1002 : i32 to index
      %swap3A_1005 = arith.index_cast %scan3A_85 : i32 to index
      %swap3A_1006 = arith.index_cast %swap3A_1003 : i32 to index
      %swap3A_1007 = arith.constant 80 : index
      %swap3A_1008 = tpu.vector_load %arg7[%swap3A_1004, %swap3A_1005, %swap3A_1006, %swap3A_1007] {strides = array<i32>} : memref<2x32x8x128xf32, #tpu.memory_space<vmem>>, vector<1x1x1x16xf32>,
      %swap3A_1009 = vector.shape_cast %swap3A_1008 : vector<1x1x1x16xf32> to vector<16xf32>
      %swap3A_1010 = vector.shape_cast %max3A_1001 : vector<16xf32> to vector<1x1x1x16xf32>
      tpu.vector_store %arg7[%swap3A_1004, %swap3A_1005, %swap3A_1006, %swap3A_1007], %swap3A_1010 {strides = array<i32>} : memref<2x32x8x128xf32, #tpu.memory_space<vmem>>, vector<1x1x1x16xf32>,
      %slice3A_1011 = vector.extract_strided_slice %get3A_38 {offsets = [5], sizes = [1], strides = [1]} : vector<16xf32> to vector<1xf32>
      %squeeze3A_1012 = vector.extract %slice3A_1011[0] : f32 from vector<1xf32>
      %sub3A_1013 = vector.broadcast %squeeze3A_1012 : f32 to vector<16xf32>
      %sub3A_1014 = arith.subf %sub3A_1013, %mul3A_916 : vector<16xf32>
      %abs3A_1015 = math.absf %sub3A_1014 : vector<16xf32>
      %sub3A_1016 = arith.subf %mul3A_920, %abs3A_1015 : vector<16xf32>
      %max3A_1017 = arith.constant 0.000000e+00 : f32
      %max3A_1018 = vector.broadcast %max3A_1017 : f32 to vector<16xf32>
      %max3A_1019 = arith.maximumf %sub3A_1016, %max3A_1018 : vector<16xf32>
      %swap3A_1020 = arith.constant 0 : i32
      %swap3A_1021 = arith.constant 5 : i32
      %swap3A_1022 = arith.index_cast %swap3A_1020 : i32 to index
      %swap3A_1023 = arith.index_cast %scan3A_85 : i32 to index
      %swap3A_1024 = arith.index_cast %swap3A_1021 : i32 to index
      %swap3A_1025 = arith.constant 80 : index
      %swap3A_1026 = tpu.vector_load %arg7[%swap3A_1022, %swap3A_1023, %swap3A_1024, %swap3A_1025] {strides = array<i32>} : memref<2x32x8x128xf32, #tpu.memory_space<vmem>>, vector<1x1x1x16xf32>,
      %swap3A_1027 = vector.shape_cast %swap3A_1026 : vector<1x1x1x16xf32> to vector<16xf32>
      %swap3A_1028 = vector.shape_cast %max3A_1019 : vector<16xf32> to vector<1x1x1x16xf32>
      tpu.vector_store %arg7[%swap3A_1022, %swap3A_1023, %swap3A_1024, %swap3A_1025], %swap3A_1028 {strides = array<i32>} : memref<2x32x8x128xf32, #tpu.memory_space<vmem>>, vector<1x1x1x16xf32>,
      %slice3A_1029 = vector.extract_strided_slice %get3A_38 {offsets = [6], sizes = [1], strides = [1]} : vector<16xf32> to vector<1xf32>
      %squeeze3A_1030 = vector.extract %slice3A_1029[0] : f32 from vector<1xf32>
      %sub3A_1031 = vector.broadcast %squeeze3A_1030 : f32 to vector<16xf32>
      %sub3A_1032 = arith.subf %sub3A_1031, %mul3A_916 : vector<16xf32>
      %abs3A_1033 = math.absf %sub3A_1032 : vector<16xf32>
      %sub3A_1034 = arith.subf %mul3A_920, %abs3A_1033 : vector<16xf32>
      %max3A_1035 = arith.constant 0.000000e+00 : f32
      %max3A_1036 = vector.broadcast %max3A_1035 : f32 to vector<16xf32>
      %max3A_1037 = arith.maximumf %sub3A_1034, %max3A_1036 : vector<16xf32>
      %swap3A_1038 = arith.constant 0 : i32
      %swap3A_1039 = arith.constant 6 : i32
      %swap3A_1040 = arith.index_cast %swap3A_1038 : i32 to index
      %swap3A_1041 = arith.index_cast %scan3A_85 : i32 to index
      %swap3A_1042 = arith.index_cast %swap3A_1039 : i32 to index
      %swap3A_1043 = arith.constant 80 : index
      %swap3A_1044 = tpu.vector_load %arg7[%swap3A_1040, %swap3A_1041, %swap3A_1042, %swap3A_1043] {strides = array<i32>} : memref<2x32x8x128xf32, #tpu.memory_space<vmem>>, vector<1x1x1x16xf32>,
      %swap3A_1045 = vector.shape_cast %swap3A_1044 : vector<1x1x1x16xf32> to vector<16xf32>
      %swap3A_1046 = vector.shape_cast %max3A_1037 : vector<16xf32> to vector<1x1x1x16xf32>
      tpu.vector_store %arg7[%swap3A_1040, %swap3A_1041, %swap3A_1042, %swap3A_1043], %swap3A_1046 {strides = array<i32>} : memref<2x32x8x128xf32, #tpu.memory_space<vmem>>, vector<1x1x1x16xf32>,
      %slice3A_1047 = vector.extract_strided_slice %get3A_38 {offsets = [7], sizes = [1], strides = [1]} : vector<16xf32> to vector<1xf32>
      %squeeze3A_1048 = vector.extract %slice3A_1047[0] : f32 from vector<1xf32>
      %sub3A_1049 = vector.broadcast %squeeze3A_1048 : f32 to vector<16xf32>
      %sub3A_1050 = arith.subf %sub3A_1049, %mul3A_916 : vector<16xf32>
      %abs3A_1051 = math.absf %sub3A_1050 : vector<16xf32>
      %sub3A_1052 = arith.subf %mul3A_920, %abs3A_1051 : vector<16xf32>
      %max3A_1053 = arith.constant 0.000000e+00 : f32
      %max3A_1054 = vector.broadcast %max3A_1053 : f32 to vector<16xf32>
      %max3A_1055 = arith.maximumf %sub3A_1052, %max3A_1054 : vector<16xf32>
      %swap3A_1056 = arith.constant 0 : i32
      %swap3A_1057 = arith.constant 7 : i32
      %swap3A_1058 = arith.index_cast %swap3A_1056 : i32 to index
      %swap3A_1059 = arith.index_cast %scan3A_85 : i32 to index
      %swap3A_1060 = arith.index_cast %swap3A_1057 : i32 to index
      %swap3A_1061 = arith.constant 80 : index
      %swap3A_1062 = tpu.vector_load %arg7[%swap3A_1058, %swap3A_1059, %swap3A_1060, %swap3A_1061] {strides = array<i32>} : memref<2x32x8x128xf32, #tpu.memory_space<vmem>>, vector<1x1x1x16xf32>,
      %swap3A_1063 = vector.shape_cast %swap3A_1062 : vector<1x1x1x16xf32> to vector<16xf32>
      %swap3A_1064 = vector.shape_cast %max3A_1055 : vector<16xf32> to vector<1x1x1x16xf32>
      tpu.vector_store %arg7[%swap3A_1058, %swap3A_1059, %swap3A_1060, %swap3A_1061], %swap3A_1064 {strides = array<i32>} : memref<2x32x8x128xf32, #tpu.memory_space<vmem>>, vector<1x1x1x16xf32>,
      %get3A_1065 = arith.constant 0 : i32
      %get3A_1066 = arith.index_cast %scan3A_85 : i32 to index
      %get3A_1067 = arith.index_cast %get3A_1065 : i32 to index
      %get3A_1068 = arith.constant 96 : index
      %get3A_1069 = tpu.vector_load %arg5[%get3A_1066, %get3A_1067, %get3A_1068] {strides = array<i32>} : memref<32x2x128xf32, #tpu.memory_space<vmem>>, vector<1x1x16xf32>,
      %get3A_1070 = vector.shape_cast %get3A_1069 : vector<1x1x16xf32> to vector<16xf32>
      %get3A_1071 = arith.constant 1 : i32
      %get3A_1072 = arith.index_cast %scan3A_85 : i32 to index
      %get3A_1073 = arith.index_cast %get3A_1071 : i32 to index
      %get3A_1074 = arith.constant 96 : index
      %get3A_1075 = tpu.vector_load %arg5[%get3A_1072, %get3A_1073, %get3A_1074] {strides = array<i32>} : memref<32x2x128xf32, #tpu.memory_space<vmem>>, vector<1x1x16xf32>,
      %get3A_1076 = vector.shape_cast %get3A_1075 : vector<1x1x16xf32> to vector<16xf32>
      %add3A_1077 = arith.addf %get3A_1070, %get3A_1076 : vector<16xf32>
      %mul3A_1078 = arith.constant 5.000000e-01 : f32
      %mul3A_1079 = vector.broadcast %mul3A_1078 : f32 to vector<16xf32>
      %mul3A_1080 = arith.mulf %mul3A_1079, %add3A_1077 : vector<16xf32>
      %sub3A_1081 = arith.subf %get3A_1076, %get3A_1070 : vector<16xf32>
      %mul3A_1082 = arith.constant 5.000000e-01 : f32
      %mul3A_1083 = vector.broadcast %mul3A_1082 : f32 to vector<16xf32>
      %mul3A_1084 = arith.mulf %mul3A_1083, %sub3A_1081 : vector<16xf32>
      %slice3A_1085 = vector.extract_strided_slice %get3A_38 {offsets = [0], sizes = [1], strides = [1]} : vector<16xf32> to vector<1xf32>
      %squeeze3A_1086 = vector.extract %slice3A_1085[0] : f32 from vector<1xf32>
      %sub3A_1087 = vector.broadcast %squeeze3A_1086 : f32 to vector<16xf32>
      %sub3A_1088 = arith.subf %sub3A_1087, %mul3A_1080 : vector<16xf32>
      %abs3A_1089 = math.absf %sub3A_1088 : vector<16xf32>
      %sub3A_1090 = arith.subf %mul3A_1084, %abs3A_1089 : vector<16xf32>
      %max3A_1091 = arith.constant 0.000000e+00 : f32
      %max3A_1092 = vector.broadcast %max3A_1091 : f32 to vector<16xf32>
      %max3A_1093 = arith.maximumf %sub3A_1090, %max3A_1092 : vector<16xf32>
      %swap3A_1094 = arith.constant 0 : i32
      %swap3A_1095 = arith.constant 0 : i32
      %swap3A_1096 = arith.index_cast %swap3A_1094 : i32 to index
      %swap3A_1097 = arith.index_cast %scan3A_85 : i32 to index
      %swap3A_1098 = arith.index_cast %swap3A_1095 : i32 to index
      %swap3A_1099 = arith.constant 96 : index
      %swap3A_1100 = tpu.vector_load %arg7[%swap3A_1096, %swap3A_1097, %swap3A_1098, %swap3A_1099] {strides = array<i32>} : memref<2x32x8x128xf32, #tpu.memory_space<vmem>>, vector<1x1x1x16xf32>,
      %swap3A_1101 = vector.shape_cast %swap3A_1100 : vector<1x1x1x16xf32> to vector<16xf32>
      %swap3A_1102 = vector.shape_cast %max3A_1093 : vector<16xf32> to vector<1x1x1x16xf32>
      tpu.vector_store %arg7[%swap3A_1096, %swap3A_1097, %swap3A_1098, %swap3A_1099], %swap3A_1102 {strides = array<i32>} : memref<2x32x8x128xf32, #tpu.memory_space<vmem>>, vector<1x1x1x16xf32>,
      %slice3A_1103 = vector.extract_strided_slice %get3A_38 {offsets = [1], sizes = [1], strides = [1]} : vector<16xf32> to vector<1xf32>
      %squeeze3A_1104 = vector.extract %slice3A_1103[0] : f32 from vector<1xf32>
      %sub3A_1105 = vector.broadcast %squeeze3A_1104 : f32 to vector<16xf32>
      %sub3A_1106 = arith.subf %sub3A_1105, %mul3A_1080 : vector<16xf32>
      %abs3A_1107 = math.absf %sub3A_1106 : vector<16xf32>
      %sub3A_1108 = arith.subf %mul3A_1084, %abs3A_1107 : vector<16xf32>
      %max3A_1109 = arith.constant 0.000000e+00 : f32
      %max3A_1110 = vector.broadcast %max3A_1109 : f32 to vector<16xf32>
      %max3A_1111 = arith.maximumf %sub3A_1108, %max3A_1110 : vector<16xf32>
      %swap3A_1112 = arith.constant 0 : i32
      %swap3A_1113 = arith.constant 1 : i32
      %swap3A_1114 = arith.index_cast %swap3A_1112 : i32 to index
      %swap3A_1115 = arith.index_cast %scan3A_85 : i32 to index
      %swap3A_1116 = arith.index_cast %swap3A_1113 : i32 to index
      %swap3A_1117 = arith.constant 96 : index
      %swap3A_1118 = tpu.vector_load %arg7[%swap3A_1114, %swap3A_1115, %swap3A_1116, %swap3A_1117] {strides = array<i32>} : memref<2x32x8x128xf32, #tpu.memory_space<vmem>>, vector<1x1x1x16xf32>,
      %swap3A_1119 = vector.shape_cast %swap3A_1118 : vector<1x1x1x16xf32> to vector<16xf32>
      %swap3A_1120 = vector.shape_cast %max3A_1111 : vector<16xf32> to vector<1x1x1x16xf32>
      tpu.vector_store %arg7[%swap3A_1114, %swap3A_1115, %swap3A_1116, %swap3A_1117], %swap3A_1120 {strides = array<i32>} : memref<2x32x8x128xf32, #tpu.memory_space<vmem>>, vector<1x1x1x16xf32>,
      %slice3A_1121 = vector.extract_strided_slice %get3A_38 {offsets = [2], sizes = [1], strides = [1]} : vector<16xf32> to vector<1xf32>
      %squeeze3A_1122 = vector.extract %slice3A_1121[0] : f32 from vector<1xf32>
      %sub3A_1123 = vector.broadcast %squeeze3A_1122 : f32 to vector<16xf32>
      %sub3A_1124 = arith.subf %sub3A_1123, %mul3A_1080 : vector<16xf32>
      %abs3A_1125 = math.absf %sub3A_1124 : vector<16xf32>
      %sub3A_1126 = arith.subf %mul3A_1084, %abs3A_1125 : vector<16xf32>
      %max3A_1127 = arith.constant 0.000000e+00 : f32
      %max3A_1128 = vector.broadcast %max3A_1127 : f32 to vector<16xf32>
      %max3A_1129 = arith.maximumf %sub3A_1126, %max3A_1128 : vector<16xf32>
      %swap3A_1130 = arith.constant 0 : i32
      %swap3A_1131 = arith.constant 2 : i32
      %swap3A_1132 = arith.index_cast %swap3A_1130 : i32 to index
      %swap3A_1133 = arith.index_cast %scan3A_85 : i32 to index
      %swap3A_1134 = arith.index_cast %swap3A_1131 : i32 to index
      %swap3A_1135 = arith.constant 96 : index
      %swap3A_1136 = tpu.vector_load %arg7[%swap3A_1132, %swap3A_1133, %swap3A_1134, %swap3A_1135] {strides = array<i32>} : memref<2x32x8x128xf32, #tpu.memory_space<vmem>>, vector<1x1x1x16xf32>,
      %swap3A_1137 = vector.shape_cast %swap3A_1136 : vector<1x1x1x16xf32> to vector<16xf32>
      %swap3A_1138 = vector.shape_cast %max3A_1129 : vector<16xf32> to vector<1x1x1x16xf32>
      tpu.vector_store %arg7[%swap3A_1132, %swap3A_1133, %swap3A_1134, %swap3A_1135], %swap3A_1138 {strides = array<i32>} : memref<2x32x8x128xf32, #tpu.memory_space<vmem>>, vector<1x1x1x16xf32>,
      %slice3A_1139 = vector.extract_strided_slice %get3A_38 {offsets = [3], sizes = [1], strides = [1]} : vector<16xf32> to vector<1xf32>
      %squeeze3A_1140 = vector.extract %slice3A_1139[0] : f32 from vector<1xf32>
      %sub3A_1141 = vector.broadcast %squeeze3A_1140 : f32 to vector<16xf32>
      %sub3A_1142 = arith.subf %sub3A_1141, %mul3A_1080 : vector<16xf32>
      %abs3A_1143 = math.absf %sub3A_1142 : vector<16xf32>
      %sub3A_1144 = arith.subf %mul3A_1084, %abs3A_1143 : vector<16xf32>
      %max3A_1145 = arith.constant 0.000000e+00 : f32
      %max3A_1146 = vector.broadcast %max3A_1145 : f32 to vector<16xf32>
      %max3A_1147 = arith.maximumf %sub3A_1144, %max3A_1146 : vector<16xf32>
      %swap3A_1148 = arith.constant 0 : i32
      %swap3A_1149 = arith.constant 3 : i32
      %swap3A_1150 = arith.index_cast %swap3A_1148 : i32 to index
      %swap3A_1151 = arith.index_cast %scan3A_85 : i32 to index
      %swap3A_1152 = arith.index_cast %swap3A_1149 : i32 to index
      %swap3A_1153 = arith.constant 96 : index
      %swap3A_1154 = tpu.vector_load %arg7[%swap3A_1150, %swap3A_1151, %swap3A_1152, %swap3A_1153] {strides = array<i32>} : memref<2x32x8x128xf32, #tpu.memory_space<vmem>>, vector<1x1x1x16xf32>,
      %swap3A_1155 = vector.shape_cast %swap3A_1154 : vector<1x1x1x16xf32> to vector<16xf32>
      %swap3A_1156 = vector.shape_cast %max3A_1147 : vector<16xf32> to vector<1x1x1x16xf32>
      tpu.vector_store %arg7[%swap3A_1150, %swap3A_1151, %swap3A_1152, %swap3A_1153], %swap3A_1156 {strides = array<i32>} : memref<2x32x8x128xf32, #tpu.memory_space<vmem>>, vector<1x1x1x16xf32>,
      %slice3A_1157 = vector.extract_strided_slice %get3A_38 {offsets = [4], sizes = [1], strides = [1]} : vector<16xf32> to vector<1xf32>
      %squeeze3A_1158 = vector.extract %slice3A_1157[0] : f32 from vector<1xf32>
      %sub3A_1159 = vector.broadcast %squeeze3A_1158 : f32 to vector<16xf32>
      %sub3A_1160 = arith.subf %sub3A_1159, %mul3A_1080 : vector<16xf32>
      %abs3A_1161 = math.absf %sub3A_1160 : vector<16xf32>
      %sub3A_1162 = arith.subf %mul3A_1084, %abs3A_1161 : vector<16xf32>
      %max3A_1163 = arith.constant 0.000000e+00 : f32
      %max3A_1164 = vector.broadcast %max3A_1163 : f32 to vector<16xf32>
      %max3A_1165 = arith.maximumf %sub3A_1162, %max3A_1164 : vector<16xf32>
      %swap3A_1166 = arith.constant 0 : i32
      %swap3A_1167 = arith.constant 4 : i32
      %swap3A_1168 = arith.index_cast %swap3A_1166 : i32 to index
      %swap3A_1169 = arith.index_cast %scan3A_85 : i32 to index
      %swap3A_1170 = arith.index_cast %swap3A_1167 : i32 to index
      %swap3A_1171 = arith.constant 96 : index
      %swap3A_1172 = tpu.vector_load %arg7[%swap3A_1168, %swap3A_1169, %swap3A_1170, %swap3A_1171] {strides = array<i32>} : memref<2x32x8x128xf32, #tpu.memory_space<vmem>>, vector<1x1x1x16xf32>,
      %swap3A_1173 = vector.shape_cast %swap3A_1172 : vector<1x1x1x16xf32> to vector<16xf32>
      %swap3A_1174 = vector.shape_cast %max3A_1165 : vector<16xf32> to vector<1x1x1x16xf32>
      tpu.vector_store %arg7[%swap3A_1168, %swap3A_1169, %swap3A_1170, %swap3A_1171], %swap3A_1174 {strides = array<i32>} : memref<2x32x8x128xf32, #tpu.memory_space<vmem>>, vector<1x1x1x16xf32>,
      %slice3A_1175 = vector.extract_strided_slice %get3A_38 {offsets = [5], sizes = [1], strides = [1]} : vector<16xf32> to vector<1xf32>
      %squeeze3A_1176 = vector.extract %slice3A_1175[0] : f32 from vector<1xf32>
      %sub3A_1177 = vector.broadcast %squeeze3A_1176 : f32 to vector<16xf32>
      %sub3A_1178 = arith.subf %sub3A_1177, %mul3A_1080 : vector<16xf32>
      %abs3A_1179 = math.absf %sub3A_1178 : vector<16xf32>
      %sub3A_1180 = arith.subf %mul3A_1084, %abs3A_1179 : vector<16xf32>
      %max3A_1181 = arith.constant 0.000000e+00 : f32
      %max3A_1182 = vector.broadcast %max3A_1181 : f32 to vector<16xf32>
      %max3A_1183 = arith.maximumf %sub3A_1180, %max3A_1182 : vector<16xf32>
      %swap3A_1184 = arith.constant 0 : i32
      %swap3A_1185 = arith.constant 5 : i32
      %swap3A_1186 = arith.index_cast %swap3A_1184 : i32 to index
      %swap3A_1187 = arith.index_cast %scan3A_85 : i32 to index
      %swap3A_1188 = arith.index_cast %swap3A_1185 : i32 to index
      %swap3A_1189 = arith.constant 96 : index
      %swap3A_1190 = tpu.vector_load %arg7[%swap3A_1186, %swap3A_1187, %swap3A_1188, %swap3A_1189] {strides = array<i32>} : memref<2x32x8x128xf32, #tpu.memory_space<vmem>>, vector<1x1x1x16xf32>,
      %swap3A_1191 = vector.shape_cast %swap3A_1190 : vector<1x1x1x16xf32> to vector<16xf32>
      %swap3A_1192 = vector.shape_cast %max3A_1183 : vector<16xf32> to vector<1x1x1x16xf32>
      tpu.vector_store %arg7[%swap3A_1186, %swap3A_1187, %swap3A_1188, %swap3A_1189], %swap3A_1192 {strides = array<i32>} : memref<2x32x8x128xf32, #tpu.memory_space<vmem>>, vector<1x1x1x16xf32>,
      %slice3A_1193 = vector.extract_strided_slice %get3A_38 {offsets = [6], sizes = [1], strides = [1]} : vector<16xf32> to vector<1xf32>
      %squeeze3A_1194 = vector.extract %slice3A_1193[0] : f32 from vector<1xf32>
      %sub3A_1195 = vector.broadcast %squeeze3A_1194 : f32 to vector<16xf32>
      %sub3A_1196 = arith.subf %sub3A_1195, %mul3A_1080 : vector<16xf32>
      %abs3A_1197 = math.absf %sub3A_1196 : vector<16xf32>
      %sub3A_1198 = arith.subf %mul3A_1084, %abs3A_1197 : vector<16xf32>
      %max3A_1199 = arith.constant 0.000000e+00 : f32
      %max3A_1200 = vector.broadcast %max3A_1199 : f32 to vector<16xf32>
      %max3A_1201 = arith.maximumf %sub3A_1198, %max3A_1200 : vector<16xf32>
      %swap3A_1202 = arith.constant 0 : i32
      %swap3A_1203 = arith.constant 6 : i32
      %swap3A_1204 = arith.index_cast %swap3A_1202 : i32 to index
      %swap3A_1205 = arith.index_cast %scan3A_85 : i32 to index
      %swap3A_1206 = arith.index_cast %swap3A_1203 : i32 to index
      %swap3A_1207 = arith.constant 96 : index
      %swap3A_1208 = tpu.vector_load %arg7[%swap3A_1204, %swap3A_1205, %swap3A_1206, %swap3A_1207] {strides = array<i32>} : memref<2x32x8x128xf32, #tpu.memory_space<vmem>>, vector<1x1x1x16xf32>,
      %swap3A_1209 = vector.shape_cast %swap3A_1208 : vector<1x1x1x16xf32> to vector<16xf32>
      %swap3A_1210 = vector.shape_cast %max3A_1201 : vector<16xf32> to vector<1x1x1x16xf32>
      tpu.vector_store %arg7[%swap3A_1204, %swap3A_1205, %swap3A_1206, %swap3A_1207], %swap3A_1210 {strides = array<i32>} : memref<2x32x8x128xf32, #tpu.memory_space<vmem>>, vector<1x1x1x16xf32>,
      %slice3A_1211 = vector.extract_strided_slice %get3A_38 {offsets = [7], sizes = [1], strides = [1]} : vector<16xf32> to vector<1xf32>
      %squeeze3A_1212 = vector.extract %slice3A_1211[0] : f32 from vector<1xf32>
      %sub3A_1213 = vector.broadcast %squeeze3A_1212 : f32 to vector<16xf32>
      %sub3A_1214 = arith.subf %sub3A_1213, %mul3A_1080 : vector<16xf32>
      %abs3A_1215 = math.absf %sub3A_1214 : vector<16xf32>
      %sub3A_1216 = arith.subf %mul3A_1084, %abs3A_1215 : vector<16xf32>
      %max3A_1217 = arith.constant 0.000000e+00 : f32
      %max3A_1218 = vector.broadcast %max3A_1217 : f32 to vector<16xf32>
      %max3A_1219 = arith.maximumf %sub3A_1216, %max3A_1218 : vector<16xf32>
      %swap3A_1220 = arith.constant 0 : i32
      %swap3A_1221 = arith.constant 7 : i32
      %swap3A_1222 = arith.index_cast %swap3A_1220 : i32 to index
      %swap3A_1223 = arith.index_cast %scan3A_85 : i32 to index
      %swap3A_1224 = arith.index_cast %swap3A_1221 : i32 to index
      %swap3A_1225 = arith.constant 96 : index
      %swap3A_1226 = tpu.vector_load %arg7[%swap3A_1222, %swap3A_1223, %swap3A_1224, %swap3A_1225] {strides = array<i32>} : memref<2x32x8x128xf32, #tpu.memory_space<vmem>>, vector<1x1x1x16xf32>,
      %swap3A_1227 = vector.shape_cast %swap3A_1226 : vector<1x1x1x16xf32> to vector<16xf32>
      %swap3A_1228 = vector.shape_cast %max3A_1219 : vector<16xf32> to vector<1x1x1x16xf32>
      tpu.vector_store %arg7[%swap3A_1222, %swap3A_1223, %swap3A_1224, %swap3A_1225], %swap3A_1228 {strides = array<i32>} : memref<2x32x8x128xf32, #tpu.memory_space<vmem>>, vector<1x1x1x16xf32>,
      %get3A_1229 = arith.constant 0 : i32
      %get3A_1230 = arith.index_cast %scan3A_85 : i32 to index
      %get3A_1231 = arith.index_cast %get3A_1229 : i32 to index
      %get3A_1232 = arith.constant 112 : index
      %get3A_1233 = tpu.vector_load %arg5[%get3A_1230, %get3A_1231, %get3A_1232] {strides = array<i32>} : memref<32x2x128xf32, #tpu.memory_space<vmem>>, vector<1x1x16xf32>,
      %get3A_1234 = vector.shape_cast %get3A_1233 : vector<1x1x16xf32> to vector<16xf32>
      %get3A_1235 = arith.constant 1 : i32
      %get3A_1236 = arith.index_cast %scan3A_85 : i32 to index
      %get3A_1237 = arith.index_cast %get3A_1235 : i32 to index
      %get3A_1238 = arith.constant 112 : index
      %get3A_1239 = tpu.vector_load %arg5[%get3A_1236, %get3A_1237, %get3A_1238] {strides = array<i32>} : memref<32x2x128xf32, #tpu.memory_space<vmem>>, vector<1x1x16xf32>,
      %get3A_1240 = vector.shape_cast %get3A_1239 : vector<1x1x16xf32> to vector<16xf32>
      %add3A_1241 = arith.addf %get3A_1234, %get3A_1240 : vector<16xf32>
      %mul3A_1242 = arith.constant 5.000000e-01 : f32
      %mul3A_1243 = vector.broadcast %mul3A_1242 : f32 to vector<16xf32>
      %mul3A_1244 = arith.mulf %mul3A_1243, %add3A_1241 : vector<16xf32>
      %sub3A_1245 = arith.subf %get3A_1240, %get3A_1234 : vector<16xf32>
      %mul3A_1246 = arith.constant 5.000000e-01 : f32
      %mul3A_1247 = vector.broadcast %mul3A_1246 : f32 to vector<16xf32>
      %mul3A_1248 = arith.mulf %mul3A_1247, %sub3A_1245 : vector<16xf32>
      %slice3A_1249 = vector.extract_strided_slice %get3A_38 {offsets = [0], sizes = [1], strides = [1]} : vector<16xf32> to vector<1xf32>
      %squeeze3A_1250 = vector.extract %slice3A_1249[0] : f32 from vector<1xf32>
      %sub3A_1251 = vector.broadcast %squeeze3A_1250 : f32 to vector<16xf32>
      %sub3A_1252 = arith.subf %sub3A_1251, %mul3A_1244 : vector<16xf32>
      %abs3A_1253 = math.absf %sub3A_1252 : vector<16xf32>
      %sub3A_1254 = arith.subf %mul3A_1248, %abs3A_1253 : vector<16xf32>
      %max3A_1255 = arith.constant 0.000000e+00 : f32
      %max3A_1256 = vector.broadcast %max3A_1255 : f32 to vector<16xf32>
      %max3A_1257 = arith.maximumf %sub3A_1254, %max3A_1256 : vector<16xf32>
      %swap3A_1258 = arith.constant 0 : i32
      %swap3A_1259 = arith.constant 0 : i32
      %swap3A_1260 = arith.index_cast %swap3A_1258 : i32 to index
      %swap3A_1261 = arith.index_cast %scan3A_85 : i32 to index
      %swap3A_1262 = arith.index_cast %swap3A_1259 : i32 to index
      %swap3A_1263 = arith.constant 112 : index
      %swap3A_1264 = tpu.vector_load %arg7[%swap3A_1260, %swap3A_1261, %swap3A_1262, %swap3A_1263] {strides = array<i32>} : memref<2x32x8x128xf32, #tpu.memory_space<vmem>>, vector<1x1x1x16xf32>,
      %swap3A_1265 = vector.shape_cast %swap3A_1264 : vector<1x1x1x16xf32> to vector<16xf32>
      %swap3A_1266 = vector.shape_cast %max3A_1257 : vector<16xf32> to vector<1x1x1x16xf32>
      tpu.vector_store %arg7[%swap3A_1260, %swap3A_1261, %swap3A_1262, %swap3A_1263], %swap3A_1266 {strides = array<i32>} : memref<2x32x8x128xf32, #tpu.memory_space<vmem>>, vector<1x1x1x16xf32>,
      %slice3A_1267 = vector.extract_strided_slice %get3A_38 {offsets = [1], sizes = [1], strides = [1]} : vector<16xf32> to vector<1xf32>
      %squeeze3A_1268 = vector.extract %slice3A_1267[0] : f32 from vector<1xf32>
      %sub3A_1269 = vector.broadcast %squeeze3A_1268 : f32 to vector<16xf32>
      %sub3A_1270 = arith.subf %sub3A_1269, %mul3A_1244 : vector<16xf32>
      %abs3A_1271 = math.absf %sub3A_1270 : vector<16xf32>
      %sub3A_1272 = arith.subf %mul3A_1248, %abs3A_1271 : vector<16xf32>
      %max3A_1273 = arith.constant 0.000000e+00 : f32
      %max3A_1274 = vector.broadcast %max3A_1273 : f32 to vector<16xf32>
      %max3A_1275 = arith.maximumf %sub3A_1272, %max3A_1274 : vector<16xf32>
      %swap3A_1276 = arith.constant 0 : i32
      %swap3A_1277 = arith.constant 1 : i32
      %swap3A_1278 = arith.index_cast %swap3A_1276 : i32 to index
      %swap3A_1279 = arith.index_cast %scan3A_85 : i32 to index
      %swap3A_1280 = arith.index_cast %swap3A_1277 : i32 to index
      %swap3A_1281 = arith.constant 112 : index
      %swap3A_1282 = tpu.vector_load %arg7[%swap3A_1278, %swap3A_1279, %swap3A_1280, %swap3A_1281] {strides = array<i32>} : memref<2x32x8x128xf32, #tpu.memory_space<vmem>>, vector<1x1x1x16xf32>,
      %swap3A_1283 = vector.shape_cast %swap3A_1282 : vector<1x1x1x16xf32> to vector<16xf32>
      %swap3A_1284 = vector.shape_cast %max3A_1275 : vector<16xf32> to vector<1x1x1x16xf32>
      tpu.vector_store %arg7[%swap3A_1278, %swap3A_1279, %swap3A_1280, %swap3A_1281], %swap3A_1284 {strides = array<i32>} : memref<2x32x8x128xf32, #tpu.memory_space<vmem>>, vector<1x1x1x16xf32>,
      %slice3A_1285 = vector.extract_strided_slice %get3A_38 {offsets = [2], sizes = [1], strides = [1]} : vector<16xf32> to vector<1xf32>
      %squeeze3A_1286 = vector.extract %slice3A_1285[0] : f32 from vector<1xf32>
      %sub3A_1287 = vector.broadcast %squeeze3A_1286 : f32 to vector<16xf32>
      %sub3A_1288 = arith.subf %sub3A_1287, %mul3A_1244 : vector<16xf32>
      %abs3A_1289 = math.absf %sub3A_1288 : vector<16xf32>
      %sub3A_1290 = arith.subf %mul3A_1248, %abs3A_1289 : vector<16xf32>
      %max3A_1291 = arith.constant 0.000000e+00 : f32
      %max3A_1292 = vector.broadcast %max3A_1291 : f32 to vector<16xf32>
      %max3A_1293 = arith.maximumf %sub3A_1290, %max3A_1292 : vector<16xf32>
      %swap3A_1294 = arith.constant 0 : i32
      %swap3A_1295 = arith.constant 2 : i32
      %swap3A_1296 = arith.index_cast %swap3A_1294 : i32 to index
      %swap3A_1297 = arith.index_cast %scan3A_85 : i32 to index
      %swap3A_1298 = arith.index_cast %swap3A_1295 : i32 to index
      %swap3A_1299 = arith.constant 112 : index
      %swap3A_1300 = tpu.vector_load %arg7[%swap3A_1296, %swap3A_1297, %swap3A_1298, %swap3A_1299] {strides = array<i32>} : memref<2x32x8x128xf32, #tpu.memory_space<vmem>>, vector<1x1x1x16xf32>,
      %swap3A_1301 = vector.shape_cast %swap3A_1300 : vector<1x1x1x16xf32> to vector<16xf32>
      %swap3A_1302 = vector.shape_cast %max3A_1293 : vector<16xf32> to vector<1x1x1x16xf32>
      tpu.vector_store %arg7[%swap3A_1296, %swap3A_1297, %swap3A_1298, %swap3A_1299], %swap3A_1302 {strides = array<i32>} : memref<2x32x8x128xf32, #tpu.memory_space<vmem>>, vector<1x1x1x16xf32>,
      %slice3A_1303 = vector.extract_strided_slice %get3A_38 {offsets = [3], sizes = [1], strides = [1]} : vector<16xf32> to vector<1xf32>
      %squeeze3A_1304 = vector.extract %slice3A_1303[0] : f32 from vector<1xf32>
      %sub3A_1305 = vector.broadcast %squeeze3A_1304 : f32 to vector<16xf32>
      %sub3A_1306 = arith.subf %sub3A_1305, %mul3A_1244 : vector<16xf32>
      %abs3A_1307 = math.absf %sub3A_1306 : vector<16xf32>
      %sub3A_1308 = arith.subf %mul3A_1248, %abs3A_1307 : vector<16xf32>
      %max3A_1309 = arith.constant 0.000000e+00 : f32
      %max3A_1310 = vector.broadcast %max3A_1309 : f32 to vector<16xf32>
      %max3A_1311 = arith.maximumf %sub3A_1308, %max3A_1310 : vector<16xf32>
      %swap3A_1312 = arith.constant 0 : i32
      %swap3A_1313 = arith.constant 3 : i32
      %swap3A_1314 = arith.index_cast %swap3A_1312 : i32 to index
      %swap3A_1315 = arith.index_cast %scan3A_85 : i32 to index
      %swap3A_1316 = arith.index_cast %swap3A_1313 : i32 to index
      %swap3A_1317 = arith.constant 112 : index
      %swap3A_1318 = tpu.vector_load %arg7[%swap3A_1314, %swap3A_1315, %swap3A_1316, %swap3A_1317] {strides = array<i32>} : memref<2x32x8x128xf32, #tpu.memory_space<vmem>>, vector<1x1x1x16xf32>,
      %swap3A_1319 = vector.shape_cast %swap3A_1318 : vector<1x1x1x16xf32> to vector<16xf32>
      %swap3A_1320 = vector.shape_cast %max3A_1311 : vector<16xf32> to vector<1x1x1x16xf32>
      tpu.vector_store %arg7[%swap3A_1314, %swap3A_1315, %swap3A_1316, %swap3A_1317], %swap3A_1320 {strides = array<i32>} : memref<2x32x8x128xf32, #tpu.memory_space<vmem>>, vector<1x1x1x16xf32>,
      %slice3A_1321 = vector.extract_strided_slice %get3A_38 {offsets = [4], sizes = [1], strides = [1]} : vector<16xf32> to vector<1xf32>
      %squeeze3A_1322 = vector.extract %slice3A_1321[0] : f32 from vector<1xf32>
      %sub3A_1323 = vector.broadcast %squeeze3A_1322 : f32 to vector<16xf32>
      %sub3A_1324 = arith.subf %sub3A_1323, %mul3A_1244 : vector<16xf32>
      %abs3A_1325 = math.absf %sub3A_1324 : vector<16xf32>
      %sub3A_1326 = arith.subf %mul3A_1248, %abs3A_1325 : vector<16xf32>
      %max3A_1327 = arith.constant 0.000000e+00 : f32
      %max3A_1328 = vector.broadcast %max3A_1327 : f32 to vector<16xf32>
      %max3A_1329 = arith.maximumf %sub3A_1326, %max3A_1328 : vector<16xf32>
      %swap3A_1330 = arith.constant 0 : i32
      %swap3A_1331 = arith.constant 4 : i32
      %swap3A_1332 = arith.index_cast %swap3A_1330 : i32 to index
      %swap3A_1333 = arith.index_cast %scan3A_85 : i32 to index
      %swap3A_1334 = arith.index_cast %swap3A_1331 : i32 to index
      %swap3A_1335 = arith.constant 112 : index
      %swap3A_1336 = tpu.vector_load %arg7[%swap3A_1332, %swap3A_1333, %swap3A_1334, %swap3A_1335] {strides = array<i32>} : memref<2x32x8x128xf32, #tpu.memory_space<vmem>>, vector<1x1x1x16xf32>,
      %swap3A_1337 = vector.shape_cast %swap3A_1336 : vector<1x1x1x16xf32> to vector<16xf32>
      %swap3A_1338 = vector.shape_cast %max3A_1329 : vector<16xf32> to vector<1x1x1x16xf32>
      tpu.vector_store %arg7[%swap3A_1332, %swap3A_1333, %swap3A_1334, %swap3A_1335], %swap3A_1338 {strides = array<i32>} : memref<2x32x8x128xf32, #tpu.memory_space<vmem>>, vector<1x1x1x16xf32>,
      %slice3A_1339 = vector.extract_strided_slice %get3A_38 {offsets = [5], sizes = [1], strides = [1]} : vector<16xf32> to vector<1xf32>
      %squeeze3A_1340 = vector.extract %slice3A_1339[0] : f32 from vector<1xf32>
      %sub3A_1341 = vector.broadcast %squeeze3A_1340 : f32 to vector<16xf32>
      %sub3A_1342 = arith.subf %sub3A_1341, %mul3A_1244 : vector<16xf32>
      %abs3A_1343 = math.absf %sub3A_1342 : vector<16xf32>
      %sub3A_1344 = arith.subf %mul3A_1248, %abs3A_1343 : vector<16xf32>
      %max3A_1345 = arith.constant 0.000000e+00 : f32
      %max3A_1346 = vector.broadcast %max3A_1345 : f32 to vector<16xf32>
      %max3A_1347 = arith.maximumf %sub3A_1344, %max3A_1346 : vector<16xf32>
      %swap3A_1348 = arith.constant 0 : i32
      %swap3A_1349 = arith.constant 5 : i32
      %swap3A_1350 = arith.index_cast %swap3A_1348 : i32 to index
      %swap3A_1351 = arith.index_cast %scan3A_85 : i32 to index
      %swap3A_1352 = arith.index_cast %swap3A_1349 : i32 to index
      %swap3A_1353 = arith.constant 112 : index
      %swap3A_1354 = tpu.vector_load %arg7[%swap3A_1350, %swap3A_1351, %swap3A_1352, %swap3A_1353] {strides = array<i32>} : memref<2x32x8x128xf32, #tpu.memory_space<vmem>>, vector<1x1x1x16xf32>,
      %swap3A_1355 = vector.shape_cast %swap3A_1354 : vector<1x1x1x16xf32> to vector<16xf32>
      %swap3A_1356 = vector.shape_cast %max3A_1347 : vector<16xf32> to vector<1x1x1x16xf32>
      tpu.vector_store %arg7[%swap3A_1350, %swap3A_1351, %swap3A_1352, %swap3A_1353], %swap3A_1356 {strides = array<i32>} : memref<2x32x8x128xf32, #tpu.memory_space<vmem>>, vector<1x1x1x16xf32>,
      %slice3A_1357 = vector.extract_strided_slice %get3A_38 {offsets = [6], sizes = [1], strides = [1]} : vector<16xf32> to vector<1xf32>
      %squeeze3A_1358 = vector.extract %slice3A_1357[0] : f32 from vector<1xf32>
      %sub3A_1359 = vector.broadcast %squeeze3A_1358 : f32 to vector<16xf32>
      %sub3A_1360 = arith.subf %sub3A_1359, %mul3A_1244 : vector<16xf32>
      %abs3A_1361 = math.absf %sub3A_1360 : vector<16xf32>
      %sub3A_1362 = arith.subf %mul3A_1248, %abs3A_1361 : vector<16xf32>
      %max3A_1363 = arith.constant 0.000000e+00 : f32
      %max3A_1364 = vector.broadcast %max3A_1363 : f32 to vector<16xf32>
      %max3A_1365 = arith.maximumf %sub3A_1362, %max3A_1364 : vector<16xf32>
      %swap3A_1366 = arith.constant 0 : i32
      %swap3A_1367 = arith.constant 6 : i32
      %swap3A_1368 = arith.index_cast %swap3A_1366 : i32 to index
      %swap3A_1369 = arith.index_cast %scan3A_85 : i32 to index
      %swap3A_1370 = arith.index_cast %swap3A_1367 : i32 to index
      %swap3A_1371 = arith.constant 112 : index
      %swap3A_1372 = tpu.vector_load %arg7[%swap3A_1368, %swap3A_1369, %swap3A_1370, %swap3A_1371] {strides = array<i32>} : memref<2x32x8x128xf32, #tpu.memory_space<vmem>>, vector<1x1x1x16xf32>,
      %swap3A_1373 = vector.shape_cast %swap3A_1372 : vector<1x1x1x16xf32> to vector<16xf32>
      %swap3A_1374 = vector.shape_cast %max3A_1365 : vector<16xf32> to vector<1x1x1x16xf32>
      tpu.vector_store %arg7[%swap3A_1368, %swap3A_1369, %swap3A_1370, %swap3A_1371], %swap3A_1374 {strides = array<i32>} : memref<2x32x8x128xf32, #tpu.memory_space<vmem>>, vector<1x1x1x16xf32>,
      %slice3A_1375 = vector.extract_strided_slice %get3A_38 {offsets = [7], sizes = [1], strides = [1]} : vector<16xf32> to vector<1xf32>
      %squeeze3A_1376 = vector.extract %slice3A_1375[0] : f32 from vector<1xf32>
      %sub3A_1377 = vector.broadcast %squeeze3A_1376 : f32 to vector<16xf32>
      %sub3A_1378 = arith.subf %sub3A_1377, %mul3A_1244 : vector<16xf32>
      %abs3A_1379 = math.absf %sub3A_1378 : vector<16xf32>
      %sub3A_1380 = arith.subf %mul3A_1248, %abs3A_1379 : vector<16xf32>
      %max3A_1381 = arith.constant 0.000000e+00 : f32
      %max3A_1382 = vector.broadcast %max3A_1381 : f32 to vector<16xf32>
      %max3A_1383 = arith.maximumf %sub3A_1380, %max3A_1382 : vector<16xf32>
      %swap3A_1384 = arith.constant 0 : i32
      %swap3A_1385 = arith.constant 7 : i32
      %swap3A_1386 = arith.index_cast %swap3A_1384 : i32 to index
      %swap3A_1387 = arith.index_cast %scan3A_85 : i32 to index
      %swap3A_1388 = arith.index_cast %swap3A_1385 : i32 to index
      %swap3A_1389 = arith.constant 112 : index
      %swap3A_1390 = tpu.vector_load %arg7[%swap3A_1386, %swap3A_1387, %swap3A_1388, %swap3A_1389] {strides = array<i32>} : memref<2x32x8x128xf32, #tpu.memory_space<vmem>>, vector<1x1x1x16xf32>,
      %swap3A_1391 = vector.shape_cast %swap3A_1390 : vector<1x1x1x16xf32> to vector<16xf32>
      %swap3A_1392 = vector.shape_cast %max3A_1383 : vector<16xf32> to vector<1x1x1x16xf32>
      tpu.vector_store %arg7[%swap3A_1386, %swap3A_1387, %swap3A_1388, %swap3A_1389], %swap3A_1392 {strides = array<i32>} : memref<2x32x8x128xf32, #tpu.memory_space<vmem>>, vector<1x1x1x16xf32>,
    }
    %scan3A_43 = arith.constant 32 : i32
    %dma_start3A = arith.constant 0 : i32
    %dma_start3A_44 = arith.constant 0 : i32
    %dma_start3A_45 = arith.constant 0 : i32
    %dma_start3A_46 = arith.constant 0 : i32
    %dma_start3A_47 = tpu.memref_slice %arg7[%dma_start3A, %dma_start3A_44, %dma_start3A_45, %dma_start3A_46] : memref<2x32x8x128xf32, #tpu.memory_space<vmem>> -> memref<1x32x8x128xf32, #tpu.memory_space<vmem>>
    %dma_start3A_48 = tpu.memref_squeeze %dma_start3A_47 : memref<1x32x8x128xf32, #tpu.memory_space<vmem>> -> memref<32x8x128xf32, #tpu.memory_space<vmem>>
    %dma_start3A_49 = arith.constant 0 : i32
    %dma_start3A_50 = arith.constant 0 : i32
    %dma_start3A_51 = arith.constant 0 : i32
    %dma_start3A_52 = tpu.memref_slice %arg4[%select_n3A, %add3A_34, %dma_start3A_49, %dma_start3A_50, %dma_start3A_51] : memref<16x8x32x8x128xf32, #tpu.memory_space<hbm>> -> memref<1x1x32x8x128xf32, #tpu.memory_space<hbm>>
    %dma_start3A_53 = tpu.memref_squeeze %dma_start3A_52 : memref<1x1x32x8x128xf32, #tpu.memory_space<hbm>> -> memref<32x8x128xf32, #tpu.memory_space<hbm>>
    %dma_start3A_54 = arith.constant 0 : i32
    %dma_start3A_55 = arith.constant 0 : i32
    %dma_start3A_56 = arith.constant 0 : i32
    %dma_start3A_57 = tpu.memref_slice %arg4[%select_n3A, %add3A_34, %dma_start3A_54, %dma_start3A_55, %dma_start3A_56] : memref<16x8x32x8x128xf32, #tpu.memory_space<hbm>> -> memref<1x1x32x8x128xf32, #tpu.memory_space<hbm>>
    %dma_start3A_58 = tpu.memref_squeeze %dma_start3A_57 : memref<1x1x32x8x128xf32, #tpu.memory_space<hbm>> -> memref<32x8x128xf32, #tpu.memory_space<hbm>>
    %dma_start3A_59 = arith.constant 0 : i32
    %dma_start3A_60 = arith.constant 0 : i32
    %dma_start3A_61 = arith.constant 0 : i32
    %dma_start3A_62 = tpu.memref_slice %arg7[%dma_start3A, %dma_start3A_59, %dma_start3A_60, %dma_start3A_61] : memref<2x32x8x128xf32, #tpu.memory_space<vmem>> -> memref<1x32x8x128xf32, #tpu.memory_space<vmem>>
    %dma_start3A_63 = tpu.memref_squeeze %dma_start3A_62 : memref<1x32x8x128xf32, #tpu.memory_space<vmem>> -> memref<32x8x128xf32, #tpu.memory_space<vmem>>
    tpu.enqueue_dma source(%dma_start3A_63 : memref<32x8x128xf32, #tpu.memory_space<vmem>>) target(%dma_start3A_58 : memref<32x8x128xf32, #tpu.memory_space<hbm>>) target_semaphore(%arg8 : memref<!tpu.dma_semaphore, #tpu.memory_space<semaphore_mem>>)
    %dma_wait3A = arith.constant 0 : i32
    %dma_wait3A_64 = arith.constant 0 : i32
    %dma_wait3A_65 = arith.constant 0 : i32
    %dma_wait3A_66 = arith.constant 0 : i32
    %dma_wait3A_67 = arith.constant 0 : i32
    %dma_wait3A_68 = tpu.memref_slice %arg7[%dma_wait3A, %dma_wait3A_65, %dma_wait3A_66, %dma_wait3A_67] : memref<2x32x8x128xf32, #tpu.memory_space<vmem>> -> memref<1x32x8x128xf32, #tpu.memory_space<vmem>>
    %dma_wait3A_69 = tpu.memref_squeeze %dma_wait3A_68 : memref<1x32x8x128xf32, #tpu.memory_space<vmem>> -> memref<32x8x128xf32, #tpu.memory_space<vmem>>
    %dma_wait3A_70 = arith.constant 0 : i32
    %dma_wait3A_71 = arith.constant 0 : i32
    %dma_wait3A_72 = arith.constant 0 : i32
    %dma_wait3A_73 = tpu.memref_slice %arg4[%select_n3A, %dma_wait3A_64, %dma_wait3A_70, %dma_wait3A_71, %dma_wait3A_72] : memref<16x8x32x8x128xf32, #tpu.memory_space<hbm>> -> memref<1x1x32x8x128xf32, #tpu.memory_space<hbm>>
    %dma_wait3A_74 = tpu.memref_squeeze %dma_wait3A_73 : memref<1x1x32x8x128xf32, #tpu.memory_space<hbm>> -> memref<32x8x128xf32, #tpu.memory_space<hbm>>
    %dma_wait3A_75 = arith.constant 0 : i32
    %dma_wait3A_76 = arith.constant 0 : i32
    %dma_wait3A_77 = arith.constant 0 : i32
    %dma_wait3A_78 = tpu.memref_slice %arg4[%select_n3A, %dma_wait3A_64, %dma_wait3A_75, %dma_wait3A_76, %dma_wait3A_77] : memref<16x8x32x8x128xf32, #tpu.memory_space<hbm>> -> memref<1x1x32x8x128xf32, #tpu.memory_space<hbm>>
    %dma_wait3A_79 = tpu.memref_squeeze %dma_wait3A_78 : memref<1x1x32x8x128xf32, #tpu.memory_space<hbm>> -> memref<32x8x128xf32, #tpu.memory_space<hbm>>
    %dma_wait3A_80 = arith.constant 0 : i32
    %dma_wait3A_81 = arith.constant 0 : i32
    %dma_wait3A_82 = arith.constant 0 : i32
    %dma_wait3A_83 = tpu.memref_slice %arg7[%dma_wait3A, %dma_wait3A_80, %dma_wait3A_81, %dma_wait3A_82] : memref<2x32x8x128xf32, #tpu.memory_space<vmem>> -> memref<1x32x8x128xf32, #tpu.memory_space<vmem>>
    %dma_wait3A_84 = tpu.memref_squeeze %dma_wait3A_83 : memref<1x32x8x128xf32, #tpu.memory_space<vmem>> -> memref<32x8x128xf32, #tpu.memory_space<vmem>>
    tpu.wait_dma2 semaphore(%arg8 : memref<!tpu.dma_semaphore, #tpu.memory_space<semaphore_mem>>) src(%dma_wait3A_84 : memref<32x8x128xf32, #tpu.memory_space<vmem>>) dst(%dma_wait3A_79 : memref<32x8x128xf32, #tpu.memory_space<hbm>>)
    return
  }
}

</mosaic_0001>

<sc_bundles>
// kernel: kernel.3.cloned.1.call-start
scs
__scs_entry_jumppad:
0x0: {  	(pc) =	sbr.rel $0x88, $3  }
0x1: {  	(tag) =	ssettag $0x0;
	lr =	simm.s32 $0x1  }
0x2: {  	[smem:$0x3F9F] =	sst lr;
	_ =	strace $0xD0000000  }
0x3: {  	_ = 	snop  }
0x4: {  	_ = 	snop  }
0x5: {  	_ = 	snop  }
0x6: {  	_ = 	snop  }
0x7: {  	_ = 	snop  }
__scs_overlays_trampoline_lowered:
0x8: {  	[smem:$0x3FAE] =	sst s0  }
0x9: {  	[smem:$0x3FAF] =	sst s1  }
0xa: {  	[smem:$0x3FB0] =	sst s2  }
0xb: {  	[smem:$0x3FB1] =	sst s3  }
0xc: {  	[smem:$0x3FB2] =	sst s4  }
0xd: {  	[smem:$0x3FB3] =	sst s5  }
0xe: {  	[smem:$0x3FB4] =	sst s6  }
0xf: {  	[smem:$0x3FB5] =	sst s7  }
0x10: {  	[smem:$0x3FB6] =	sst s8  }
0x11: {  	[smem:$0x3FB7] =	sst s9;
	s0 =	simm.s32 @!p0 $0x0  }
0x12: {  	s1 =	sld [smem:$0x3F9D];
	s0 =	simm.s32 @p0 $0x1  }
0x13: {  	[smem:$0x3FB8] =	sst s0;
	s0 =	simm.s32 @!p1 $0x0  }
0x14: {  	s2 =	sld [smem:$0x3F9C];
	s0 =	simm.s32 @p1 $0x1  }
0x15: {  	[smem:$0x3FB9] =	sst s0;
	s0 =	simm.s32 @!p2 $0x0  }
0x16: {  	s3 =	sld [smem:$0x3FDB];
	s0 =	simm.s32 @p2 $0x1  }
0x17: {  	s4 =	simm.s32 $0x1BF5;
	[smem:$0x3FBB] =	sst s0  }
0x18: {  	s0 =	sld [smem:$0x3F9E];
	_ =	swait.ge [sflag:s4], $0x0  }
0x19: {  	s7 =	sld [smem:$0x3F9F]  }
0x1a: {  	s8 =	sadd.s32 $0xFFFFE003, lr  }
0x1b: {  	s9 =	sadd.s32 $0xFFFFFEF7, lr;
	s5 =	simm.s32 $0xFFFFFFFF;
	p2 =	slt.u32 s8, $0xFFFFF086  }
0x1c: {  	p1 =	slt.u32 s9, $0xF7A;
	s5 =	simm.s32 @!p2 $0x0  }
0x1d: {  	s5 =	simm.s32 @p1 $0x1;
	p0 =	seq.s32 s7, s2  }
0x1e: {  	s7 =	smul.u32 @!p0 $0xF7A, s2;
	p2 =	seq.s32 @!p0 s5, $0x0  }
0x1f: {  	s9 =	smul.u32 $0xF7A, s1;
	s8 =	simm.s32 @!p0 $0x1BF5;
	p2 =	por !p2, p0  }
0x20: {  	[sflag:s8] =	ssyncset.s32 @!p0 $0xFFFFF086;
	s6 =	sadd.s32 @!p0 s3, s7;
	s7 =	simm.s32 @!p0 $0x108  }
0x21: {  	s3 =	sadd.s32 s3, s9;
	s6 =	sadd.s32 @!p0 $0x88, s6;
	s7 =	simm.s32 @p2 $0x1082  }
0x22: {  	[simem:s7], [sflag:s8] =	dma.local @!p0 [hbm:s6], $0xF7A  }
0x23: {  	s9 =	sor.u32 $0xD0000000, s2;
	s6 =	simm.s32 $0x108;
	_ =	swait.ge @!p0 [sflag:s8], $0x0  }
0x24: {  	s3 =	sadd.s32 $0x88, s3;
	s6 =	simm.s32 @!p1 $0x1082;
	[sflag:s4] =	ssyncset.s32 $0xFFFFF086  }
0x25: {  	[simem:s6], [sflag:s4] =	dma.local [hbm:s3], $0xF7A  }
0x26: {  	[smem:$0x3F9F] =	sst s1;
	(tag) =	ssettag s2;
	_ =	strace s9  }
0x27: {  	s1 =	sld [smem:$0x3FAF]  }
0x28: {  	s2 =	sld [smem:$0x3FB0]  }
0x29: {  	s4 =	sld [smem:$0x3FB2]  }
0x2a: {  	p0 =	seq.s32 s5, $0x0;
	s5 =	sld [smem:$0x3FB3]  }
0x2b: {  	s6 =	sld [smem:$0x3FB4]  }
0x2c: {  	s7 =	sld [smem:$0x3FB5]  }
0x2d: {  	s3 =	simm.s32 $0x108;
	s8 =	sld [smem:$0x3FB6]  }
0x2e: {  	s3 =	simm.s32 @!p0 $0x1082;
	s9 =	sld [smem:$0x3FB7]  }
0x2f: {  	lr =	sadd.s32 s0, s3;
	s0 =	sld [smem:$0x3FAE]  }
0x30: {  	s3 =	sld [smem:$0x3FB1]  }
0x31: {  	[smem:$0x3FBA] =	sst s10  }
0x32: {  	s10 =	sld [smem:$0x3FB8];
	_ =	sdelay $0x3  }
0x33: {  	p0 =	seq.s32 s10, $0x1;
	s10 =	sld [smem:$0x3FBA];
	_ =	sdelay $0x3  }
0x34: {  	[smem:$0x3FBA] =	sst s10  }
0x35: {  	s10 =	sld [smem:$0x3FB9];
	_ =	sdelay $0x3  }
0x36: {  	p1 =	seq.s32 s10, $0x1;
	s10 =	sld [smem:$0x3FBA];
	_ =	sdelay $0x3  }
0x37: {  	[smem:$0x3FBA] =	sst s10  }
0x38: {  	s10 =	sld [smem:$0x3FBB]  }
0x39: {  	_ = 	snop;
	(pc) =	sbr.ind lr, $3  }
0x3a: {  	_ = 	snop  }
0x3b: {  	_ = 	snop  }
0x3c: {  	p2 =	seq.s32 s10, $0x1;
	s10 =	sld [smem:$0x3FBA]  }
0x3d: {  	_ =	shalt  }
0x3e: {  	_ =	shalt  }
0x3f: {  	_ =	shalt  }
0x40: {  	_ =	shalt  }
0x41: {  	_ =	shalt  }
0x42: {  	_ =	shalt  }
0x43: {  	_ =	shalt  }
0x44: {  	_ =	shalt  }
0x45: {  	_ =	shalt  }
0x46: {  	_ =	shalt  }
0x47: {  	_ =	shalt  }
0x48: {  	_ =	shalt  }
0x49: {  	_ =	shalt  }
0x4a: {  	_ =	shalt  }
0x4b: {  	_ =	shalt  }
0x4c: {  	_ =	shalt  }
0x4d: {  	_ =	shalt  }
0x4e: {  	_ =	shalt  }
0x4f: {  	_ =	shalt  }
0x50: {  	_ =	shalt  }
0x51: {  	_ =	shalt  }
0x52: {  	_ =	shalt  }
0x53: {  	_ =	shalt  }
0x54: {  	_ =	shalt  }
0x55: {  	_ =	shalt  }
0x56: {  	_ =	shalt  }
0x57: {  	_ =	shalt  }
0x58: {  	_ =	shalt  }
0x59: {  	_ =	shalt  }
0x5a: {  	_ =	shalt  }
0x5b: {  	_ =	shalt  }
0x5c: {  	_ =	shalt  }
0x5d: {  	_ =	shalt  }
0x5e: {  	_ =	shalt  }
0x5f: {  	_ =	shalt  }
0x60: {  	_ =	shalt  }
0x61: {  	_ =	shalt  }
0x62: {  	_ =	shalt  }
0x63: {  	_ =	shalt  }
0x64: {  	_ =	shalt  }
0x65: {  	_ =	shalt  }
0x66: {  	_ =	shalt  }
0x67: {  	_ =	shalt  }
0x68: {  	_ =	shalt  }
0x69: {  	_ =	shalt  }
0x6a: {  	_ =	shalt  }
0x6b: {  	_ =	shalt  }
0x6c: {  	_ =	shalt  }
0x6d: {  	_ =	shalt  }
0x6e: {  	_ =	shalt  }
0x6f: {  	_ =	shalt  }
0x70: {  	_ =	shalt  }
0x71: {  	_ =	shalt  }
0x72: {  	_ =	shalt  }
0x73: {  	_ =	shalt  }
0x74: {  	_ =	shalt  }
0x75: {  	_ =	shalt  }
0x76: {  	_ =	shalt  }
0x77: {  	_ =	shalt  }
0x78: {  	_ =	shalt  }
0x79: {  	_ =	shalt  }
0x7a: {  	_ =	shalt  }
0x7b: {  	_ =	shalt  }
0x7c: {  	_ =	shalt  }
0x7d: {  	_ =	shalt  }
0x7e: {  	_ =	shalt  }
0x7f: {  	_ =	shalt  }
0x80: {  	_ =	shalt  }
0x81: {  	_ =	shalt  }
0x82: {  	_ =	shalt  }
0x83: {  	_ =	shalt  }
0x84: {  	_ =	shalt  }
0x85: {  	_ =	shalt  }
0x86: {  	_ =	shalt  }
0x87: {  	_ =	shalt  }
.Lfunc_end0:
.L_simem_size_0:
called_computation_lowered:
.L_overlay_start_0:
0x88: {  	s2 =	sld [smem:$0x3FD9]  }
0x89: {  	s3 =	sld [smem:$0x3FFE];
	_ =	sdelay $0x1  }
0x8a: {  	s1 =	srdreg.scid  }
0x8b: {  	s0 =	sand.u32 $0x1, s1  }
0x8c: {  	s18 =	sshll.u32 s0, $0xA;
	s2 =	sadd.s32 s3, s2  }
0x8d: {  	s2 =	sadd.s32 s2, s18  }
0x8e: {  	[smem:$0x3FC6] =	sst s2  }
0x8f: {  	_ = 	snop  }
0x90: {  	s2 =	sld [smem:$0x3FC9]  }
0x91: {  	s19 =	sld [smem:$0x3FC8]  }
0x92: {  	s4 =	sld [smem:$0x3FD0];
	(tm) =	ssettm $0x1  }
0x93: {  	s5 =	sld [smem:$0x3FFB];
	_ =	sdelay $0x3  }
0x94: {  	_ =	strace s5  }
0x95: {  	s5 =	sld [smem:$0x3FFC];
	_ =	sdelay $0x3  }
0x96: {  	_ =	strace s5  }
0x97: {  	s5 =	sld [smem:$0x3FFD];
	_ =	sdelay $0x3  }
0x98: {  	_ =	strace s5  }
0x99: {  	_ =	strace $0x8FFFFFFF  }
0x9a: {  	s20 =	sld [smem:$0x3FDB];
	_ =	sdelay $0x1  }
0x9b: {  	s6 =	simm.s32 $_scs_section_size  }
0x9c: {  	s7 =	simm.s32 $_size__tile_overlayer_lowered;
	s8 =	simm.s32 $_tile_overlayer_lowered  }
0x9d: {  	s23 =	simm.s32 $0x1BFF;
	s22 =	sshll.u32 s8, $0x1;
	s5 =	sadd.s32 s6, s20  }
0x9e: {  	s9 =	simm.s32 $0x0;
	s21 =	sshll.u32 s7, $0x1;
	s7 =	sadd.s32 s22, s5  }
0x9f: {  	[timem:s9], [sflag:s23] =	dma.local [hbm:s7], s21  }
0xa0: {  	_ =	swait.ge [sflag:s23], s21  }
0xa1: {  	s6 =	ssub.s32 $0x0, s21;
	[sflag:s23] =	ssyncset.done $0x0  }
0xa2: {  	[sflag:s23] =	ssyncadd.s32 s6;
	_ =	sdelay $0x1  }
0xa3: {  	s24 =	simm.s32 $0x1B8B  }
0xa4: {  	_ =	swait.ge [sflag:s24], $0x1  }
0xa5: {  	[sflag:s24] =	ssyncset.done $0x0  }
0xa6: {  	s25 =	simm.s32 $0x1B8E;
	[sflag:s24] =	ssyncadd.s32 $0xFFFFFFFF  }
0xa7: {  	s26 =	simm.s32 $execute0_lowered;
	[smem:$0x3FD2] =	sst s25  }
0xa8: {  	s6 =	sshll.u32 s26, $0x1;
	_ =	strace $0x80000046;
	[dreg:$0x1] =	wrdreg $0xFFFFFFFF  }
0xa9: {  	s28 =	simm.s32 $_size_execute0_lowered;
	s5 =	sadd.s32 s5, s6;
	[dreg:$0x0] =	wrdreg $0x0  }
0xaa: {  	s6 =	sshll.u32 s28, $0x1;
	[dreg:$0x2] =	wrdreg s5  }
0xab: {  	[dreg:$0x3] =	wrdreg s6  }
0xac: {  	[dreg:$0x4] =	wrdreg $0xC0  }
0xad: {  	_ =	task [dreg:s9], $0x5FFFF  }
0xae: {  	[dreg:$0x1] =	wrdreg $0xFFFFFFFF  }
0xaf: {  	[dreg:$0x0] =	wrdreg $0x60  }
0xb0: {  	[dreg:$0x2] =	wrdreg s2  }
0xb1: {  	[dreg:$0x3] =	wrdreg s19  }
0xb2: {  	[dreg:$0x4] =	wrdreg s4  }
0xb3: {  	[dreg:$0x5] =	wrdreg $0x9  }
0xb4: {  	_ =	task.clear_ibuf [dreg:s9], $0x6FFFF;
	_ =	strace $0x90000046  }
0xb5: {  	s29 =	simm.s32 $0x9;
	_ =	strace $0x80000048  }
0xb6: {  	_ =	swait.ge [sflag:s29], $0x1  }
0xb7: {  	[sflag:s29] =	ssyncadd.s32 $0xFFFFFFFF  }
0xb8: {  	_ =	strace $0x90000048  }
0xb9: {  	_ =	sfence  }
0xba: {  	s30 =	sld [smem:$0x0];
	_ =	sdelay $0x2  }
0xbb: {  	s31 =	sshll.u32 s1, $0xD;
	s1 =	sshrl.u32 s1, $0x2  }
0xbc: {  	s3 =	sand.u32 $0x4000, s31;
	s1 =	sadd.s32 s1, s30  }
0xbd: {  	s0 =	sor.u32 s3, s0;
	s1 =	sshll.u32 s1, $0x11  }
0xbe: {  	s0 =	sor.u32 s1, s0  }
0xbf: {  	s0 =	sadd.s32 $0x8F2B, s0  }
0xc0: {  	[sflag:s0] =	ssyncadd.remote.s32 $0x1  }
0xc1: {  	_ =	sfence.sel $0xFFFF  }
0xc2: {  	[dreg:$0x0] =	wrdreg $0xFFFFFFFF;
	(pc) =	sbr.abs _section_cstart, $3  }
0xc3: {  	[dreg:$0x1] =	wrdreg $0xFFFFFFFF  }
0xc4: {  	_ =	task.clear_ibuf [dreg:s9], $0x2FFFF;
	_ =	strace $0x9FFFFFFF  }
0xc5: {  	(tm) =	ssettm $0x7FFFFFFF  }
tec
execute0_lowered:
.L_overlay_start_1:
0x0: {  	(tag) =	ssettag $0x1  }
0x1: {  	s1 =	srdreg.scid;
	s5 =	rddreg [dreg:$0x0]  }
0x2: {  	s0 =	stileid.u32;
	s2 =	rddreg [dreg:$0x1];
	s6 =	sand.u32 $0x1, s1  }
0x3: {  	s7 =	rddreg [dreg:$0x2];
	s1 =	sor.u32 s6, s0  }
0x4: {  	s3 =	simm.s32 $0x0;
	p1 =	seq.s32 s6, $0x1;
	p0 =	seq.s32 s1, $0x0  }
0x5: {  	s4 =	simm.s32 $0x1;
	s12 =	simm.s32 $0x0;
	p0 =	por !p0, !p1  }
0x6: {  	[smem:$0x7FF] =	sst s3;
	s8 =	ssub.s32 $0x2, s6;
	p0 =	por !p0, !p0  }
0x7: {  	s11 =	sshll.u32 s6, $0x11;
	s31 =	sshll.u32 s6, $0x7;
	s4 =	simm.s32 @!p0 $0x0  }
0x8: {  	s1 =	rddreg [dreg:$0x3];
	s9 =	sshrl.u32 s8, $0x1;
	s4 =	ssub.s32 s0, s4  }
0x9: {  	_ =	strace $0x80000047;
	s8 =	ssub.s32 s8, s9;
	s10 =	sshll.u32 s4, $0x12  }
0xa: {  	s30 =	sshll.u32 s4, $0xA;
	s4 =	simm.s32 $0x1;
	s10 =	sor.u32 s11, s10  }
0xb: {  	s9 =	sand.u32 $0x1FFFFC00, s30;
	s11 =	simm.s32 $0x2080;
	s10 =	sshrl.u32 s10, $0x3  }
0xc: {  	s5 =	sadd.s32 s5, s9;
	s9 =	simm.s32 $0x2000;
	s6 =	sadd.s32 s7, s10  }
0xd: {  	s7 =	smax.u32 s8, $0x1;
	s8 =	simm.s32 $0x2;
	s10 =	sshrl.u32 s31, $0x2  }
.LBB2_1:
0xe: {  	[tilespmem:s3], [sflag:$0x2] =	stream.linear.gather [hbm4b:s5+s3], $0x2000, $0x38;
	[tilespmem:$0x12080] =	vst v63  }
0xf: {  	_ =	swait.ge [sflag:s8], $0x2000  }
0x10: {  	[sflag:s8] =	ssyncset.done $0x0  }
0x11: {  	[sflag:s8] =	ssyncadd.s32 $0xFFFFE000  }
0x12: {  	[tilespmem:s9], [sflag:$0x2] =	stream.linear.gather [hbm4b:s2+s3], $0x40, $0x38;
	[tilespmem:$0x12080] =	vst v63  }
0x13: {  	_ =	swait.ge [sflag:s8], $0x40  }
0x14: {  	[sflag:s8] =	ssyncset.done $0x0  }
0x15: {  	[sflag:s8] =	ssyncadd.s32 $0xFFFFFFC0  }
0x16: {  	v7 =	vld [tilespmem:s10+$0x2000];
	_ =	sdelay $0x4  }
0x17: {  	v0 =	vbroadcast v7, $0x0;
	v1 =	vbroadcast v7, $0x1  }
0x18: {  	v2 =	vbroadcast v7, $0x2;
	v3 =	vbroadcast v7, $0x3  }
0x19: {  	v4 =	vbroadcast v7, $0x4;
	v5 =	vbroadcast v7, $0x5  }
0x1a: {  	s13 =	simm.s32 $0x2280;
	s14 =	simm.s32 $0x0;
	v6 =	vbroadcast v7, $0x6;
	v7 =	vbroadcast v7, $0x7  }
.LBB2_2:
0x1b: {  	s15 =	sshra.s32 s14, $0x2  }
0x1c: {  	v8 =	vld [tilespmem:s15+$0x0]  }
0x1d: {  	v9 =	vld [tilespmem:s15+$0x80];
	_ =	sdelay $0x4  }
0x1e: {  	v10 =	vadd.f32 v9, v8;
	_ =	sdelay $0x1  }
0x1f: {  	v10 =	vmul.f32 $5.000000000e-01, v10;
	_ =	sdelay $0x1  }
0x20: {  	v8 =	vsub.f32 v9, v8;
	v21 =	vsub.f32 v0, v10  }
0x21: {  	v11 =	vsub.f32 v1, v10;
	v12 =	vsub.f32 v2, v10  }
0x22: {  	v8 =	vmul.f32 $5.000000000e-01, v8;
	v13 =	vsub.f32 v3, v10;
	v14 =	vsub.f32 v4, v10  }
0x23: {  	v15 =	vsub.f32 v5, v10;
	v24 =	vsub.f32 v6, v10;
	v9 =	vand.u32 $0x7FFFFFFF, v21  }
0x24: {  	v10 =	vsub.f32 v7, v10;
	v11 =	vand.u32 $0x7FFFFFFF, v11;
	v9 =	vsub.f32 v8, v9  }
0x25: {  	v12 =	vand.u32 $0x7FFFFFFF, v12;
	v13 =	vand.u32 $0x7FFFFFFF, v13;
	v11 =	vsub.f32 v8, v11  }
0x26: {  	v23 =	vand.u32 $0x7FFFFFFF, v14;
	v12 =	vsub.f32 v8, v12;
	v9 =	vmax.f32 v9, $0.0e+00  }
0x27: {  	v26 =	vand.u32 $0x7FFFFFFF, v15;
	v25 =	vsub.f32 v8, v23;
	v11 =	vmax.f32 v11, $0.0e+00;
	[tilespmem:s13+$0xFFFFFE00] =	vst v9  }
0x28: {  	v28 =	vand.u32 $0x7FFFFFFF, v24;
	v27 =	vsub.f32 v8, v26;
	v12 =	vmax.f32 v12, $0.0e+00;
	[tilespmem:s13+$0xFFFFFE80] =	vst v11  }
0x29: {  	v10 =	vand.u32 $0x7FFFFFFF, v10;
	v30 =	vsub.f32 v8, v28;
	v29 =	vmax.f32 v25, $0.0e+00;
	[tilespmem:s13+$0xFFFFFF00] =	vst v12  }
0x2a: {  	v22 =	vsub.f32 v8, v13;
	v8 =	vsub.f32 v8, v10;
	v31 =	vmax.f32 v27, $0.0e+00;
	[tilespmem:s13+$0x0] =	vst v29  }
0x2b: {  	v32 =	vmax.f32 v30, $0.0e+00;
	[tilespmem:s13+$0x80] =	vst v31  }
0x2c: {  	v8 =	vmax.f32 v8, $0.0e+00;
	[tilespmem:s13+$0x100] =	vst v32  }
0x2d: {  	v9 =	vmax.f32 v22, $0.0e+00;
	[tilespmem:s13+$0x180] =	vst v8  }
0x2e: {  	[tilespmem:s13+$0xFFFFFF80] =	vst v9  }
0x2f: {  	v8 =	vld [tilespmem:s15+$0x10]  }
0x30: {  	v9 =	vld [tilespmem:s15+$0x90];
	_ =	sdelay $0x4  }
0x31: {  	v33 =	vadd.f32 v9, v8;
	_ =	sdelay $0x1  }
0x32: {  	v10 =	vmul.f32 $5.000000000e-01, v33;
	_ =	sdelay $0x1  }
0x33: {  	v8 =	vsub.f32 v9, v8;
	v34 =	vsub.f32 v0, v10  }
0x34: {  	v35 =	vsub.f32 v1, v10;
	v36 =	vsub.f32 v2, v10  }
0x35: {  	v8 =	vmul.f32 $5.000000000e-01, v8;
	v37 =	vsub.f32 v3, v10;
	v38 =	vsub.f32 v4, v10  }
0x36: {  	v39 =	vsub.f32 v5, v10;
	v42 =	vsub.f32 v6, v10;
	v9 =	vand.u32 $0x7FFFFFFF, v34  }
0x37: {  	v10 =	vsub.f32 v7, v10;
	v11 =	vand.u32 $0x7FFFFFFF, v35;
	v9 =	vsub.f32 v8, v9  }
0x38: {  	v12 =	vand.u32 $0x7FFFFFFF, v36;
	v13 =	vand.u32 $0x7FFFFFFF, v37;
	v11 =	vsub.f32 v8, v11  }
0x39: {  	v41 =	vand.u32 $0x7FFFFFFF, v38;
	v12 =	vsub.f32 v8, v12;
	v9 =	vmax.f32 v9, $0.0e+00  }
0x3a: {  	v44 =	vand.u32 $0x7FFFFFFF, v39;
	v43 =	vsub.f32 v8, v41;
	v11 =	vmax.f32 v11, $0.0e+00;
	[tilespmem:s13+$0xFFFFFE10] =	vst v9  }
0x3b: {  	v46 =	vand.u32 $0x7FFFFFFF, v42;
	v45 =	vsub.f32 v8, v44;
	v12 =	vmax.f32 v12, $0.0e+00;
	[tilespmem:s13+$0xFFFFFE90] =	vst v11  }
0x3c: {  	v10 =	vand.u32 $0x7FFFFFFF, v10;
	v48 =	vsub.f32 v8, v46;
	v47 =	vmax.f32 v43, $0.0e+00;
	[tilespmem:s13+$0xFFFFFF10] =	vst v12  }
0x3d: {  	v40 =	vsub.f32 v8, v13;
	v8 =	vsub.f32 v8, v10;
	v49 =	vmax.f32 v45, $0.0e+00;
	[tilespmem:s13+$0x10] =	vst v47  }
0x3e: {  	v50 =	vmax.f32 v48, $0.0e+00;
	[tilespmem:s13+$0x90] =	vst v49  }
0x3f: {  	v8 =	vmax.f32 v8, $0.0e+00;
	[tilespmem:s13+$0x110] =	vst v50  }
0x40: {  	v9 =	vmax.f32 v40, $0.0e+00;
	[tilespmem:s13+$0x190] =	vst v8  }
0x41: {  	[tilespmem:s13+$0xFFFFFF90] =	vst v9  }
0x42: {  	v8 =	vld [tilespmem:s15+$0x20]  }
0x43: {  	v9 =	vld [tilespmem:s15+$0xA0];
	_ =	sdelay $0x4  }
0x44: {  	v51 =	vadd.f32 v9, v8;
	_ =	sdelay $0x1  }
0x45: {  	v10 =	vmul.f32 $5.000000000e-01, v51;
	_ =	sdelay $0x1  }
0x46: {  	v8 =	vsub.f32 v9, v8;
	v52 =	vsub.f32 v0, v10  }
0x47: {  	v53 =	vsub.f32 v1, v10;
	v54 =	vsub.f32 v2, v10  }
0x48: {  	v8 =	vmul.f32 $5.000000000e-01, v8;
	v55 =	vsub.f32 v3, v10;
	v56 =	vsub.f32 v4, v10  }
0x49: {  	v57 =	vsub.f32 v5, v10;
	v60 =	vsub.f32 v6, v10;
	v9 =	vand.u32 $0x7FFFFFFF, v52  }
0x4a: {  	v10 =	vsub.f32 v7, v10;
	v11 =	vand.u32 $0x7FFFFFFF, v53;
	v9 =	vsub.f32 v8, v9  }
0x4b: {  	v12 =	vand.u32 $0x7FFFFFFF, v54;
	v13 =	vand.u32 $0x7FFFFFFF, v55;
	v11 =	vsub.f32 v8, v11  }
0x4c: {  	v59 =	vand.u32 $0x7FFFFFFF, v56;
	v12 =	vsub.f32 v8, v12;
	v9 =	vmax.f32 v9, $0.0e+00  }
0x4d: {  	v62 =	vand.u32 $0x7FFFFFFF, v57;
	v61 =	vsub.f32 v8, v59;
	v11 =	vmax.f32 v11, $0.0e+00;
	[tilespmem:s13+$0xFFFFFE20] =	vst v9  }
0x4e: {  	v16 =	vand.u32 $0x7FFFFFFF, v60;
	v63 =	vsub.f32 v8, v62;
	v12 =	vmax.f32 v12, $0.0e+00;
	[tilespmem:s13+$0xFFFFFEA0] =	vst v11  }
0x4f: {  	v10 =	vand.u32 $0x7FFFFFFF, v10;
	v18 =	vsub.f32 v8, v16;
	v17 =	vmax.f32 v61, $0.0e+00;
	[tilespmem:s13+$0xFFFFFF20] =	vst v12  }
0x50: {  	v58 =	vsub.f32 v8, v13;
	v8 =	vsub.f32 v8, v10;
	v19 =	vmax.f32 v63, $0.0e+00;
	[tilespmem:s13+$0x20] =	vst v17  }
0x51: {  	v20 =	vmax.f32 v18, $0.0e+00;
	[tilespmem:s13+$0xA0] =	vst v19  }
0x52: {  	v8 =	vmax.f32 v8, $0.0e+00;
	[tilespmem:s13+$0x120] =	vst v20  }
0x53: {  	v9 =	vmax.f32 v58, $0.0e+00;
	[tilespmem:s13+$0x1A0] =	vst v8  }
0x54: {  	[tilespmem:s13+$0xFFFFFFA0] =	vst v9  }
0x55: {  	v8 =	vld [tilespmem:s15+$0x30]  }
0x56: {  	v9 =	vld [tilespmem:s15+$0xB0];
	_ =	sdelay $0x4  }
0x57: {  	v21 =	vadd.f32 v9, v8;
	_ =	sdelay $0x1  }
0x58: {  	v10 =	vmul.f32 $5.000000000e-01, v21;
	_ =	sdelay $0x1  }
0x59: {  	v8 =	vsub.f32 v9, v8;
	v22 =	vsub.f32 v0, v10  }
0x5a: {  	v23 =	vsub.f32 v1, v10;
	v24 =	vsub.f32 v2, v10  }
0x5b: {  	v8 =	vmul.f32 $5.000000000e-01, v8;
	v25 =	vsub.f32 v3, v10;
	v26 =	vsub.f32 v4, v10  }
0x5c: {  	v27 =	vsub.f32 v5, v10;
	v30 =	vsub.f32 v6, v10;
	v9 =	vand.u32 $0x7FFFFFFF, v22  }
0x5d: {  	v10 =	vsub.f32 v7, v10;
	v11 =	vand.u32 $0x7FFFFFFF, v23;
	v9 =	vsub.f32 v8, v9  }
0x5e: {  	v12 =	vand.u32 $0x7FFFFFFF, v24;
	v13 =	vand.u32 $0x7FFFFFFF, v25;
	v11 =	vsub.f32 v8, v11  }
0x5f: {  	v29 =	vand.u32 $0x7FFFFFFF, v26;
	v12 =	vsub.f32 v8, v12;
	v9 =	vmax.f32 v9, $0.0e+00  }
0x60: {  	v32 =	vand.u32 $0x7FFFFFFF, v27;
	v31 =	vsub.f32 v8, v29;
	v11 =	vmax.f32 v11, $0.0e+00;
	[tilespmem:s13+$0xFFFFFE30] =	vst v9  }
0x61: {  	v34 =	vand.u32 $0x7FFFFFFF, v30;
	v33 =	vsub.f32 v8, v32;
	v12 =	vmax.f32 v12, $0.0e+00;
	[tilespmem:s13+$0xFFFFFEB0] =	vst v11  }
0x62: {  	v10 =	vand.u32 $0x7FFFFFFF, v10;
	v36 =	vsub.f32 v8, v34;
	v35 =	vmax.f32 v31, $0.0e+00;
	[tilespmem:s13+$0xFFFFFF30] =	vst v12  }
0x63: {  	v28 =	vsub.f32 v8, v13;
	v8 =	vsub.f32 v8, v10;
	v37 =	vmax.f32 v33, $0.0e+00;
	[tilespmem:s13+$0x30] =	vst v35  }
0x64: {  	v38 =	vmax.f32 v36, $0.0e+00;
	[tilespmem:s13+$0xB0] =	vst v37  }
0x65: {  	v8 =	vmax.f32 v8, $0.0e+00;
	[tilespmem:s13+$0x130] =	vst v38  }
0x66: {  	v9 =	vmax.f32 v28, $0.0e+00;
	[tilespmem:s13+$0x1B0] =	vst v8  }
0x67: {  	[tilespmem:s13+$0xFFFFFFB0] =	vst v9  }
0x68: {  	v8 =	vld [tilespmem:s15+$0x40]  }
0x69: {  	v9 =	vld [tilespmem:s15+$0xC0];
	_ =	sdelay $0x4  }
0x6a: {  	v39 =	vadd.f32 v9, v8;
	_ =	sdelay $0x1  }
0x6b: {  	v10 =	vmul.f32 $5.000000000e-01, v39;
	_ =	sdelay $0x1  }
0x6c: {  	v8 =	vsub.f32 v9, v8;
	v40 =	vsub.f32 v0, v10  }
0x6d: {  	v41 =	vsub.f32 v1, v10;
	v42 =	vsub.f32 v2, v10  }
0x6e: {  	v8 =	vmul.f32 $5.000000000e-01, v8;
	v43 =	vsub.f32 v3, v10;
	v44 =	vsub.f32 v4, v10  }
0x6f: {  	v45 =	vsub.f32 v5, v10;
	v48 =	vsub.f32 v6, v10;
	v9 =	vand.u32 $0x7FFFFFFF, v40  }
0x70: {  	v10 =	vsub.f32 v7, v10;
	v11 =	vand.u32 $0x7FFFFFFF, v41;
	v9 =	vsub.f32 v8, v9  }
0x71: {  	v12 =	vand.u32 $0x7FFFFFFF, v42;
	v13 =	vand.u32 $0x7FFFFFFF, v43;
	v11 =	vsub.f32 v8, v11  }
0x72: {  	v47 =	vand.u32 $0x7FFFFFFF, v44;
	v12 =	vsub.f32 v8, v12;
	v9 =	vmax.f32 v9, $0.0e+00  }
0x73: {  	v50 =	vand.u32 $0x7FFFFFFF, v45;
	v49 =	vsub.f32 v8, v47;
	v11 =	vmax.f32 v11, $0.0e+00;
	[tilespmem:s13+$0xFFFFFE40] =	vst v9  }
0x74: {  	v52 =	vand.u32 $0x7FFFFFFF, v48;
	v51 =	vsub.f32 v8, v50;
	v12 =	vmax.f32 v12, $0.0e+00;
	[tilespmem:s13+$0xFFFFFEC0] =	vst v11  }
0x75: {  	v10 =	vand.u32 $0x7FFFFFFF, v10;
	v54 =	vsub.f32 v8, v52;
	v53 =	vmax.f32 v49, $0.0e+00;
	[tilespmem:s13+$0xFFFFFF40] =	vst v12  }
0x76: {  	v46 =	vsub.f32 v8, v13;
	v8 =	vsub.f32 v8, v10;
	v55 =	vmax.f32 v51, $0.0e+00;
	[tilespmem:s13+$0x40] =	vst v53  }
0x77: {  	v56 =	vmax.f32 v54, $0.0e+00;
	[tilespmem:s13+$0xC0] =	vst v55  }
0x78: {  	v8 =	vmax.f32 v8, $0.0e+00;
	[tilespmem:s13+$0x140] =	vst v56  }
0x79: {  	v9 =	vmax.f32 v46, $0.0e+00;
	[tilespmem:s13+$0x1C0] =	vst v8  }
0x7a: {  	[tilespmem:s13+$0xFFFFFFC0] =	vst v9  }
0x7b: {  	v8 =	vld [tilespmem:s15+$0x50]  }
0x7c: {  	v9 =	vld [tilespmem:s15+$0xD0];
	_ =	sdelay $0x4  }
0x7d: {  	v57 =	vadd.f32 v9, v8;
	_ =	sdelay $0x1  }
0x7e: {  	v10 =	vmul.f32 $5.000000000e-01, v57;
	_ =	sdelay $0x1  }
0x7f: {  	v8 =	vsub.f32 v9, v8;
	v58 =	vsub.f32 v0, v10  }
0x80: {  	v59 =	vsub.f32 v1, v10;
	v60 =	vsub.f32 v2, v10  }
0x81: {  	v8 =	vmul.f32 $5.000000000e-01, v8;
	v61 =	vsub.f32 v3, v10;
	v62 =	vsub.f32 v4, v10  }
0x82: {  	v63 =	vsub.f32 v5, v10;
	v19 =	vsub.f32 v6, v10;
	v9 =	vand.u32 $0x7FFFFFFF, v58  }
0x83: {  	v10 =	vsub.f32 v7, v10;
	v11 =	vand.u32 $0x7FFFFFFF, v59;
	v9 =	vsub.f32 v8, v9  }
0x84: {  	v12 =	vand.u32 $0x7FFFFFFF, v60;
	v13 =	vand.u32 $0x7FFFFFFF, v61;
	v11 =	vsub.f32 v8, v11  }
0x85: {  	v18 =	vand.u32 $0x7FFFFFFF, v62;
	v12 =	vsub.f32 v8, v12;
	v9 =	vmax.f32 v9, $0.0e+00  }
0x86: {  	v21 =	vand.u32 $0x7FFFFFFF, v63;
	v20 =	vsub.f32 v8, v18;
	v11 =	vmax.f32 v11, $0.0e+00;
	[tilespmem:s13+$0xFFFFFE50] =	vst v9  }
0x87: {  	v23 =	vand.u32 $0x7FFFFFFF, v19;
	v22 =	vsub.f32 v8, v21;
	v12 =	vmax.f32 v12, $0.0e+00;
	[tilespmem:s13+$0xFFFFFED0] =	vst v11  }
0x88: {  	v10 =	vand.u32 $0x7FFFFFFF, v10;
	v25 =	vsub.f32 v8, v23;
	v24 =	vmax.f32 v20, $0.0e+00;
	[tilespmem:s13+$0xFFFFFF50] =	vst v12  }
0x89: {  	v17 =	vsub.f32 v8, v13;
	v8 =	vsub.f32 v8, v10;
	v26 =	vmax.f32 v22, $0.0e+00;
	[tilespmem:s13+$0x50] =	vst v24  }
0x8a: {  	v27 =	vmax.f32 v25, $0.0e+00;
	[tilespmem:s13+$0xD0] =	vst v26  }
0x8b: {  	v8 =	vmax.f32 v8, $0.0e+00;
	[tilespmem:s13+$0x150] =	vst v27  }
0x8c: {  	v9 =	vmax.f32 v17, $0.0e+00;
	[tilespmem:s13+$0x1D0] =	vst v8  }
0x8d: {  	[tilespmem:s13+$0xFFFFFFD0] =	vst v9  }
0x8e: {  	v8 =	vld [tilespmem:s15+$0x60]  }
0x8f: {  	v9 =	vld [tilespmem:s15+$0xE0];
	_ =	sdelay $0x4  }
0x90: {  	v28 =	vadd.f32 v9, v8;
	_ =	sdelay $0x1  }
0x91: {  	v10 =	vmul.f32 $5.000000000e-01, v28;
	_ =	sdelay $0x1  }
0x92: {  	v8 =	vsub.f32 v9, v8;
	v29 =	vsub.f32 v0, v10  }
0x93: {  	v30 =	vsub.f32 v1, v10;
	v31 =	vsub.f32 v2, v10  }
0x94: {  	v8 =	vmul.f32 $5.000000000e-01, v8;
	v32 =	vsub.f32 v3, v10;
	v33 =	vsub.f32 v4, v10  }
0x95: {  	v34 =	vsub.f32 v5, v10;
	v37 =	vsub.f32 v6, v10;
	v9 =	vand.u32 $0x7FFFFFFF, v29  }
0x96: {  	v10 =	vsub.f32 v7, v10;
	v11 =	vand.u32 $0x7FFFFFFF, v30;
	v9 =	vsub.f32 v8, v9  }
0x97: {  	v12 =	vand.u32 $0x7FFFFFFF, v31;
	v13 =	vand.u32 $0x7FFFFFFF, v32;
	v11 =	vsub.f32 v8, v11  }
0x98: {  	v36 =	vand.u32 $0x7FFFFFFF, v33;
	v12 =	vsub.f32 v8, v12;
	v9 =	vmax.f32 v9, $0.0e+00  }
0x99: {  	v39 =	vand.u32 $0x7FFFFFFF, v34;
	v38 =	vsub.f32 v8, v36;
	v11 =	vmax.f32 v11, $0.0e+00;
	[tilespmem:s13+$0xFFFFFE60] =	vst v9  }
0x9a: {  	v41 =	vand.u32 $0x7FFFFFFF, v37;
	v40 =	vsub.f32 v8, v39;
	v12 =	vmax.f32 v12, $0.0e+00;
	[tilespmem:s13+$0xFFFFFEE0] =	vst v11  }
0x9b: {  	v10 =	vand.u32 $0x7FFFFFFF, v10;
	v43 =	vsub.f32 v8, v41;
	v42 =	vmax.f32 v38, $0.0e+00;
	[tilespmem:s13+$0xFFFFFF60] =	vst v12  }
0x9c: {  	v35 =	vsub.f32 v8, v13;
	v8 =	vsub.f32 v8, v10;
	v44 =	vmax.f32 v40, $0.0e+00;
	[tilespmem:s13+$0x60] =	vst v42  }
0x9d: {  	v45 =	vmax.f32 v43, $0.0e+00;
	[tilespmem:s13+$0xE0] =	vst v44  }
0x9e: {  	v8 =	vmax.f32 v8, $0.0e+00;
	[tilespmem:s13+$0x160] =	vst v45  }
0x9f: {  	v9 =	vmax.f32 v35, $0.0e+00;
	[tilespmem:s13+$0x1E0] =	vst v8  }
0xa0: {  	[tilespmem:s13+$0xFFFFFFE0] =	vst v9  }
0xa1: {  	v8 =	vld [tilespmem:s15+$0x70]  }
0xa2: {  	v9 =	vld [tilespmem:s15+$0xF0];
	_ =	sdelay $0x4  }
0xa3: {  	v46 =	vadd.f32 v9, v8;
	_ =	sdelay $0x1  }
0xa4: {  	v10 =	vmul.f32 $5.000000000e-01, v46;
	_ =	sdelay $0x1  }
0xa5: {  	v8 =	vsub.f32 v9, v8;
	v47 =	vsub.f32 v0, v10  }
0xa6: {  	v48 =	vsub.f32 v1, v10;
	v49 =	vsub.f32 v2, v10  }
0xa7: {  	v8 =	vmul.f32 $5.000000000e-01, v8;
	v50 =	vsub.f32 v3, v10;
	v51 =	vsub.f32 v4, v10  }
0xa8: {  	v52 =	vsub.f32 v5, v10;
	v55 =	vsub.f32 v6, v10;
	v9 =	vand.u32 $0x7FFFFFFF, v47  }
0xa9: {  	v10 =	vsub.f32 v7, v10;
	v11 =	vand.u32 $0x7FFFFFFF, v48;
	v9 =	vsub.f32 v8, v9  }
0xaa: {  	v12 =	vand.u32 $0x7FFFFFFF, v49;
	v13 =	vand.u32 $0x7FFFFFFF, v50;
	v11 =	vsub.f32 v8, v11  }
0xab: {  	v54 =	vand.u32 $0x7FFFFFFF, v51;
	v12 =	vsub.f32 v8, v12;
	v9 =	vmax.f32 v9, $0.0e+00  }
0xac: {  	v57 =	vand.u32 $0x7FFFFFFF, v52;
	v56 =	vsub.f32 v8, v54;
	v11 =	vmax.f32 v11, $0.0e+00;
	[tilespmem:s13+$0xFFFFFE70] =	vst v9  }
0xad: {  	v59 =	vand.u32 $0x7FFFFFFF, v55;
	v58 =	vsub.f32 v8, v57;
	v12 =	vmax.f32 v12, $0.0e+00;
	[tilespmem:s13+$0xFFFFFEF0] =	vst v11  }
0xae: {  	p0 =	sne.s32 s14, $0x7C00;
	v10 =	vand.u32 $0x7FFFFFFF, v10;
	v61 =	vsub.f32 v8, v59;
	v60 =	vmax.f32 v56, $0.0e+00;
	[tilespmem:s13+$0xFFFFFF70] =	vst v12  }
.Ltmp0:
0xaf: {  	v53 =	vsub.f32 v8, v13;
	v8 =	vsub.f32 v8, v10;
	v62 =	vmax.f32 v58, $0.0e+00;
	[tilespmem:s13+$0x70] =	vst v60;
	(pc) =	sbr.rel @p0 .LBB2_2-.Ltmp0, $4  }
0xb0: {  	v63 =	vmax.f32 v61, $0.0e+00;
	[tilespmem:s13+$0xF0] =	vst v62  }
0xb1: {  	v8 =	vmax.f32 v8, $0.0e+00;
	[tilespmem:s13+$0x170] =	vst v63  }
0xb2: {  	v9 =	vmax.f32 v53, $0.0e+00;
	[tilespmem:s13+$0x1F0] =	vst v8  }
0xb3: {  	s14 =	sadd.s32 $0x400, s14;
	[tilespmem:s13+$0xFFFFFFF0] =	vst v9;
	s13 =	sadd.s32 $0x400, s13  }
0xb4: {  	s12 =	sadd.s32 $0x1, s12  }
0xb5: {  	p0 =	sne.s32 s12, s7  }
.Ltmp1:
0xb6: {  	_ = 	snop;
	(pc) =	sbr.rel @p0 .LBB2_1-.Ltmp1, $4  }
0xb7: {  	[hbm4b:s6+s3] =	stream.linear.scatter [tilespmem:s11], [sflag:$0x1], $0x8000, $0x38;
	[tilespmem:$0x12080] =	vst v63  }
0xb8: {  	_ =	swait.ge [sflag:s4], $0x8000  }
0xb9: {  	[sflag:s4] =	ssyncset.done $0x0  }
0xba: {  	[sflag:s4] =	ssyncadd.s32 $0xFFFF8000  }
0xbb: {  	_ =	sfence.sel $0x180000  }
0xbc: {  	[bflag:$0x0] =	sbarrier.arrive $0xFFFF  }
0xbd: {  	p0 =	sne.s32 s0, $0x0;
	_ =	strace $0x90000047  }
0xbe: {  	s0 =	sadd.s32 @!p0 $0x100000, s1;
	[bflag:$0x2] =	sbarrier.arrive $0xFFFF  }
0xbf: {  	[sflag:s0] =	ssyncadd.tile.s32 @!p0 $0x1;
	_ =	shalt  }
.Lfunc_end2:
_tile_overlayer_lowered:
.L_overlay_start_2:
0xc0: {  	(tag) =	ssettag $0x2  }
0xc1: {  	s0 =	rddreg [dreg:$0x0];
	s2 =	stileid.u32  }
0xc2: {  	s1 =	rddreg [dreg:$0x1];
	p0 =	sne.s32 s2, $0x0  }
0xc3: {  	s3 =	rddreg [dreg:$0x2];
	[bflag:$0x3] =	sbarrier.arrive $0xFFFF;
	s2 =	simm.s32 @!p0 $0x1C02  }
0xc4: {  	[timem:s3], [sflag:s2] =	dma.local @!p0 [hbm:s0], s1  }
0xc5: {  	s0 =	simm.s32 @!p0 $0x2  }
0xc6: {  	_ =	swait.ge @!p0 [sflag:s0], s1  }
0xc7: {  	s1 =	ssub.s32 @!p0 $0x0, s1;
	[sflag:s0] =	ssyncset.done @!p0 $0x0  }
0xc8: {  	[sflag:s0] =	ssyncadd.s32 @!p0 s1  }
0xc9: {  	[bflag:$0x3] =	sbarrier.arrive $0xFFFF  }
0xca: {  	_ =	shalt  }

</sc_bundles>
